<compile_context>
chip_gen: v7x
topology: tpu7x:2x2x1
jax: 0.10.2.dev20260603
libtpu: 0.0.44.dev20260713+nightly
codegen_flags: <defaults>
</compile_context>

<pallas_src>
import functools

import jax
import jax.numpy as jnp
from jax import lax
from jax.experimental import pallas as pl
from jax.experimental.pallas import tpu as pltpu
from jax.experimental.pallas import tpu_sc as plsc

_NC = 2
_NS = 16
_NW = _NC * _NS

_CHUNK = 800
_NBUF = 4


@functools.partial(jax.jit, static_argnums=(2, 3))
def _sc_gather(idx, table, B, D):
    b_per_w = B // _NW
    n_chunks = b_per_w // _CHUNK
    assert b_per_w % _CHUNK == 0 and n_chunks % _NBUF == 0
    mesh = plsc.VectorSubcoreMesh(core_axis_name="c", subcore_axis_name="s")

    @functools.partial(
        pl.kernel,
        mesh=mesh,
        out_type=jax.ShapeDtypeStruct((B, D), jnp.float32),
        scratch_types=[
            pltpu.VMEM((_NBUF, _CHUNK), jnp.int32),
            pltpu.VMEM((_NBUF, _CHUNK, D), jnp.float32),
            pltpu.SemaphoreType.DMA((_NBUF,)),
            pltpu.SemaphoreType.DMA((_NBUF,)),
            pltpu.SemaphoreType.DMA((_NBUF,)),
        ],
        compiler_params=pltpu.CompilerParams(use_tc_tiling_on_sc=False),
    )
    def k(idx_hbm, table_hbm, out_hbm, idx_v, rows_v, sem_i, sem_g, sem_s):
        wid = lax.axis_index("s") * _NC + lax.axis_index("c")
        base = wid * b_per_w

        def start_idx(chunk, b):
            pltpu.async_copy(
                idx_hbm.at[pl.ds(base + chunk * _CHUNK, _CHUNK)],
                idx_v.at[b], sem_i.at[b])

        for b in range(_NBUF):
            start_idx(b, b)

        def body(i, carry):
            for b in range(_NBUF):
                chunk = i * _NBUF + b
                pltpu.make_async_copy(
                    idx_hbm.at[pl.ds(0, _CHUNK)], idx_v.at[b],
                    sem_i.at[b]).wait()

                @pl.when(chunk >= _NBUF)
                def _():
                    pltpu.make_async_copy(
                        rows_v.at[b],
                        out_hbm.at[pl.ds(0, _CHUNK)], sem_s.at[b]).wait()

                pltpu.async_copy(table_hbm.at[idx_v.at[b]], rows_v.at[b],
                                 sem_g.at[b])

                chunk2 = chunk - (_NBUF - 1)
                b2 = (b + 1) % _NBUF

                @pl.when(chunk2 >= 0)
                def _():
                    pltpu.make_async_copy(
                        table_hbm.at[idx_v.at[b2]], rows_v.at[b2],
                        sem_g.at[b2]).wait()

                    @pl.when(chunk2 + _NBUF < n_chunks)
                    def _():
                        start_idx(chunk2 + _NBUF, b2)

                    pltpu.async_copy(
                        rows_v.at[b2],
                        out_hbm.at[pl.ds(base + chunk2 * _CHUNK, _CHUNK)],
                        sem_s.at[b2])
            return carry

        lax.fori_loop(0, n_chunks // _NBUF, body, 0)

        for j in range(_NBUF - 1):
            chunk2 = n_chunks - (_NBUF - 1) + j
            b2 = chunk2 % _NBUF
            pltpu.make_async_copy(
                table_hbm.at[idx_v.at[b2]], rows_v.at[b2],
                sem_g.at[b2]).wait()
            pltpu.async_copy(
                rows_v.at[b2],
                out_hbm.at[pl.ds(base + chunk2 * _CHUNK, _CHUNK)],
                sem_s.at[b2])
        for b in range(_NBUF):
            pltpu.make_async_copy(
                rows_v.at[b], out_hbm.at[pl.ds(0, _CHUNK)], sem_s.at[b]).wait()

    return k(idx, table)


def kernel(token_ids, weight):
    S, T = token_ids.shape
    V, D = weight.shape
    B = S * T
    idx = token_ids.reshape(B)
    out = _sc_gather(idx, weight, B, D)
    return out.reshape(S, T, D)

# --- scband reference (transcript-rebuilt; emitter-appended) ---
"""Pipeline reference for scband-embedding-32693291057176 (READ-ONLY COPY).

The authoritative reference and input builder live on the scoring server;
editing this copy changes nothing except your own understanding.
"""

import jax, jax.numpy as jnp
import numpy as np

NUM_EMBEDDINGS = 1000000
EMBEDDING_DIM = 32
STD = 1.0
ALPHA_INPUT = 1.0


def setup_inputs(seed: int = 0) -> dict:
    key = jax.random.key(seed)
    k_idx, k_w = jax.random.split(key)
    token_ids = jax.random.randint(k_idx, (16384, 200), 0, NUM_EMBEDDINGS, dtype=jnp.int64 if jax.config.jax_enable_x64 else jnp.int32)
    weight = jax.random.truncated_normal(k_w, lower=-3.0 * STD, upper=3.0 * STD, shape=(NUM_EMBEDDINGS, EMBEDDING_DIM), dtype=jnp.float32) * jnp.array(STD, dtype=jnp.float32)
    return {"token_ids": token_ids, "weight": weight}


def reference(token_ids, weight):
    # Embedding lookup: weight.at[token_ids].get() * alpha_input
    alpha = jnp.array(ALPHA_INPUT, dtype=weight.dtype)
    out = jnp.take(weight, token_ids, axis=0) * alpha
    return out

if __name__ == "__main__":
    import jax
    _d = setup_inputs()
    print(jax.jit(kernel)(*tuple(_d.values())))

</pallas_src>

<mosaic_0001>
#map = affine_map<(d0, d1) -> (0)>
#map1 = affine_map<(d0, d1) -> (0, 0)>
module attributes {stable_mosaic.version = 14 : i64} {
  func.func @k(%arg0: i32, %arg1: i32, %arg2: memref<3276800xi32, #tpu.memory_space<hbm>>, %arg3: memref<1000000x32xf32, #tpu.memory_space<hbm>>, %arg4: memref<3276800x32xf32, #tpu.memory_space<hbm>>, %arg5: memref<4x800xi32, #tpu.memory_space<vmem>>, %arg6: memref<4x800x32xf32, #tpu.memory_space<vmem>>, %arg7: memref<4x!tpu.dma_semaphore, #tpu.memory_space<semaphore_mem>>, %arg8: memref<4x!tpu.dma_semaphore, #tpu.memory_space<semaphore_mem>>, %arg9: memref<4x!tpu.dma_semaphore, #tpu.memory_space<semaphore_mem>>) attributes {dimension_semantics = [#tpu.dimension_semantics<core_parallel>, #tpu.dimension_semantics<subcore_parallel>], iteration_bounds = array<i64: 2, 16>, scalar_prefetch = 0 : i64, scratch_operands = 5 : i64, tpu.core_type = #tpu.core_type<sc_vector_subcore>, window_params = [{transform_indices = #map}, {transform_indices = #map1}, {transform_indices = #map1}]} {
    %mul3A = arith.constant 2 : i32
    %mul3A_0 = arith.muli %arg1, %mul3A : i32
    %add3A = arith.addi %mul3A_0, %arg0 : i32
    %mul3A_1 = arith.constant 102400 : i32
    %mul3A_2 = arith.muli %add3A, %mul3A_1 : i32
    %add3A_3 = arith.constant 0 : i32
    %add3A_4 = arith.addi %mul3A_2, %add3A_3 : i32
    %dma_start3A = arith.constant 0 : i32
    %dma_start3A_5 = arith.constant 0 : i32
    %dma_start3A_6 = arith.constant 0 : i32
    %dma_start3A_7 = tpu.memref_slice %arg5[%dma_start3A, %dma_start3A_6] : memref<4x800xi32, #tpu.memory_space<vmem>> -> memref<1x800xi32, #tpu.memory_space<vmem>>
    %dma_start3A_8 = tpu.memref_squeeze %dma_start3A_7 : memref<1x800xi32, #tpu.memory_space<vmem>> -> memref<800xi32, #tpu.memory_space<vmem>>
    %dma_start3A_9 = tpu.memref_slice %arg2[%add3A_4] : memref<3276800xi32, #tpu.memory_space<hbm>> -> memref<800xi32, #tpu.memory_space<hbm>>
    %dma_start3A_10 = tpu.memref_slice %arg7[%dma_start3A_5] : memref<4x!tpu.dma_semaphore, #tpu.memory_space<semaphore_mem>> -> memref<1x!tpu.dma_semaphore, #tpu.memory_space<semaphore_mem>>
    %dma_start3A_11 = tpu.memref_squeeze %dma_start3A_10 : memref<1x!tpu.dma_semaphore, #tpu.memory_space<semaphore_mem>> -> memref<!tpu.dma_semaphore, #tpu.memory_space<semaphore_mem>>
    %dma_start3A_12 = arith.constant 0 : i32
    %dma_start3A_13 = tpu.memref_slice %arg5[%dma_start3A, %dma_start3A_12] : memref<4x800xi32, #tpu.memory_space<vmem>> -> memref<1x800xi32, #tpu.memory_space<vmem>>
    %dma_start3A_14 = tpu.memref_squeeze %dma_start3A_13 : memref<1x800xi32, #tpu.memory_space<vmem>> -> memref<800xi32, #tpu.memory_space<vmem>>
    %dma_start3A_15 = tpu.memref_slice %arg2[%add3A_4] : memref<3276800xi32, #tpu.memory_space<hbm>> -> memref<800xi32, #tpu.memory_space<hbm>>
    tpu.enqueue_dma source(%dma_start3A_15 : memref<800xi32, #tpu.memory_space<hbm>>) target(%dma_start3A_14 : memref<800xi32, #tpu.memory_space<vmem>>) target_semaphore(%dma_start3A_11 : memref<!tpu.dma_semaphore, #tpu.memory_space<semaphore_mem>>)
    %add3A_16 = arith.constant 800 : i32
    %add3A_17 = arith.addi %mul3A_2, %add3A_16 : i32
    %dma_start3A_18 = arith.constant 1 : i32
    %dma_start3A_19 = arith.constant 1 : i32
    %dma_start3A_20 = arith.constant 0 : i32
    %dma_start3A_21 = tpu.memref_slice %arg5[%dma_start3A_18, %dma_start3A_20] : memref<4x800xi32, #tpu.memory_space<vmem>> -> memref<1x800xi32, #tpu.memory_space<vmem>>
    %dma_start3A_22 = tpu.memref_squeeze %dma_start3A_21 : memref<1x800xi32, #tpu.memory_space<vmem>> -> memref<800xi32, #tpu.memory_space<vmem>>
    %dma_start3A_23 = tpu.memref_slice %arg2[%add3A_17] : memref<3276800xi32, #tpu.memory_space<hbm>> -> memref<800xi32, #tpu.memory_space<hbm>>
    %dma_start3A_24 = tpu.memref_slice %arg7[%dma_start3A_19] : memref<4x!tpu.dma_semaphore, #tpu.memory_space<semaphore_mem>> -> memref<1x!tpu.dma_semaphore, #tpu.memory_space<semaphore_mem>>
    %dma_start3A_25 = tpu.memref_squeeze %dma_start3A_24 : memref<1x!tpu.dma_semaphore, #tpu.memory_space<semaphore_mem>> -> memref<!tpu.dma_semaphore, #tpu.memory_space<semaphore_mem>>
    %dma_start3A_26 = arith.constant 0 : i32
    %dma_start3A_27 = tpu.memref_slice %arg5[%dma_start3A_18, %dma_start3A_26] : memref<4x800xi32, #tpu.memory_space<vmem>> -> memref<1x800xi32, #tpu.memory_space<vmem>>
    %dma_start3A_28 = tpu.memref_squeeze %dma_start3A_27 : memref<1x800xi32, #tpu.memory_space<vmem>> -> memref<800xi32, #tpu.memory_space<vmem>>
    %dma_start3A_29 = tpu.memref_slice %arg2[%add3A_17] : memref<3276800xi32, #tpu.memory_space<hbm>> -> memref<800xi32, #tpu.memory_space<hbm>>
    tpu.enqueue_dma source(%dma_start3A_29 : memref<800xi32, #tpu.memory_space<hbm>>) target(%dma_start3A_28 : memref<800xi32, #tpu.memory_space<vmem>>) target_semaphore(%dma_start3A_25 : memref<!tpu.dma_semaphore, #tpu.memory_space<semaphore_mem>>)
    %add3A_30 = arith.constant 1600 : i32
    %add3A_31 = arith.addi %mul3A_2, %add3A_30 : i32
    %dma_start3A_32 = arith.constant 2 : i32
    %dma_start3A_33 = arith.constant 2 : i32
    %dma_start3A_34 = arith.constant 0 : i32
    %dma_start3A_35 = tpu.memref_slice %arg5[%dma_start3A_32, %dma_start3A_34] : memref<4x800xi32, #tpu.memory_space<vmem>> -> memref<1x800xi32, #tpu.memory_space<vmem>>
    %dma_start3A_36 = tpu.memref_squeeze %dma_start3A_35 : memref<1x800xi32, #tpu.memory_space<vmem>> -> memref<800xi32, #tpu.memory_space<vmem>>
    %dma_start3A_37 = tpu.memref_slice %arg2[%add3A_31] : memref<3276800xi32, #tpu.memory_space<hbm>> -> memref<800xi32, #tpu.memory_space<hbm>>
    %dma_start3A_38 = tpu.memref_slice %arg7[%dma_start3A_33] : memref<4x!tpu.dma_semaphore, #tpu.memory_space<semaphore_mem>> -> memref<1x!tpu.dma_semaphore, #tpu.memory_space<semaphore_mem>>
    %dma_start3A_39 = tpu.memref_squeeze %dma_start3A_38 : memref<1x!tpu.dma_semaphore, #tpu.memory_space<semaphore_mem>> -> memref<!tpu.dma_semaphore, #tpu.memory_space<semaphore_mem>>
    %dma_start3A_40 = arith.constant 0 : i32
    %dma_start3A_41 = tpu.memref_slice %arg5[%dma_start3A_32, %dma_start3A_40] : memref<4x800xi32, #tpu.memory_space<vmem>> -> memref<1x800xi32, #tpu.memory_space<vmem>>
    %dma_start3A_42 = tpu.memref_squeeze %dma_start3A_41 : memref<1x800xi32, #tpu.memory_space<vmem>> -> memref<800xi32, #tpu.memory_space<vmem>>
    %dma_start3A_43 = tpu.memref_slice %arg2[%add3A_31] : memref<3276800xi32, #tpu.memory_space<hbm>> -> memref<800xi32, #tpu.memory_space<hbm>>
    tpu.enqueue_dma source(%dma_start3A_43 : memref<800xi32, #tpu.memory_space<hbm>>) target(%dma_start3A_42 : memref<800xi32, #tpu.memory_space<vmem>>) target_semaphore(%dma_start3A_39 : memref<!tpu.dma_semaphore, #tpu.memory_space<semaphore_mem>>)
    %add3A_44 = arith.constant 2400 : i32
    %add3A_45 = arith.addi %mul3A_2, %add3A_44 : i32
    %dma_start3A_46 = arith.constant 3 : i32
    %dma_start3A_47 = arith.constant 3 : i32
    %dma_start3A_48 = arith.constant 0 : i32
    %dma_start3A_49 = tpu.memref_slice %arg5[%dma_start3A_46, %dma_start3A_48] : memref<4x800xi32, #tpu.memory_space<vmem>> -> memref<1x800xi32, #tpu.memory_space<vmem>>
    %dma_start3A_50 = tpu.memref_squeeze %dma_start3A_49 : memref<1x800xi32, #tpu.memory_space<vmem>> -> memref<800xi32, #tpu.memory_space<vmem>>
    %dma_start3A_51 = tpu.memref_slice %arg2[%add3A_45] : memref<3276800xi32, #tpu.memory_space<hbm>> -> memref<800xi32, #tpu.memory_space<hbm>>
    %dma_start3A_52 = tpu.memref_slice %arg7[%dma_start3A_47] : memref<4x!tpu.dma_semaphore, #tpu.memory_space<semaphore_mem>> -> memref<1x!tpu.dma_semaphore, #tpu.memory_space<semaphore_mem>>
    %dma_start3A_53 = tpu.memref_squeeze %dma_start3A_52 : memref<1x!tpu.dma_semaphore, #tpu.memory_space<semaphore_mem>> -> memref<!tpu.dma_semaphore, #tpu.memory_space<semaphore_mem>>
    %dma_start3A_54 = arith.constant 0 : i32
    %dma_start3A_55 = tpu.memref_slice %arg5[%dma_start3A_46, %dma_start3A_54] : memref<4x800xi32, #tpu.memory_space<vmem>> -> memref<1x800xi32, #tpu.memory_space<vmem>>
    %dma_start3A_56 = tpu.memref_squeeze %dma_start3A_55 : memref<1x800xi32, #tpu.memory_space<vmem>> -> memref<800xi32, #tpu.memory_space<vmem>>
    %dma_start3A_57 = tpu.memref_slice %arg2[%add3A_45] : memref<3276800xi32, #tpu.memory_space<hbm>> -> memref<800xi32, #tpu.memory_space<hbm>>
    tpu.enqueue_dma source(%dma_start3A_57 : memref<800xi32, #tpu.memory_space<hbm>>) target(%dma_start3A_56 : memref<800xi32, #tpu.memory_space<vmem>>) target_semaphore(%dma_start3A_53 : memref<!tpu.dma_semaphore, #tpu.memory_space<semaphore_mem>>)
    %scan3A = arith.constant 0 : i32
    %scan3A_58 = arith.constant 0 : i32
    %scan3A_59 = arith.constant 32 : i32
    %scan3A_60 = arith.addi %scan3A_58, %scan3A_59 : i32
    %scan3A_61 = arith.constant 1 : i32
    scf.for %scan3A_233 = %scan3A_58 to %scan3A_60 step %scan3A_61  : i32 {
      %mul3A_234 = arith.constant 4 : i32
      %mul3A_235 = arith.muli %scan3A_233, %mul3A_234 : i32
      %add3A_236 = arith.constant 0 : i32
      %add3A_237 = arith.addi %mul3A_235, %add3A_236 : i32
      %dma_wait3A_238 = arith.constant 0 : i32
      %dma_wait3A_239 = arith.constant 0 : i32
      %dma_wait3A_240 = arith.constant 0 : i32
      %dma_wait3A_241 = tpu.memref_slice %arg5[%dma_wait3A_238, %dma_wait3A_240] : memref<4x800xi32, #tpu.memory_space<vmem>> -> memref<1x800xi32, #tpu.memory_space<vmem>>
      %dma_wait3A_242 = tpu.memref_squeeze %dma_wait3A_241 : memref<1x800xi32, #tpu.memory_space<vmem>> -> memref<800xi32, #tpu.memory_space<vmem>>
      %dma_wait3A_243 = arith.constant 0 : i32
      %dma_wait3A_244 = tpu.memref_slice %arg2[%dma_wait3A_243] : memref<3276800xi32, #tpu.memory_space<hbm>> -> memref<800xi32, #tpu.memory_space<hbm>>
      %dma_wait3A_245 = tpu.memref_slice %arg7[%dma_wait3A_239] : memref<4x!tpu.dma_semaphore, #tpu.memory_space<semaphore_mem>> -> memref<1x!tpu.dma_semaphore, #tpu.memory_space<semaphore_mem>>
      %dma_wait3A_246 = tpu.memref_squeeze %dma_wait3A_245 : memref<1x!tpu.dma_semaphore, #tpu.memory_space<semaphore_mem>> -> memref<!tpu.dma_semaphore, #tpu.memory_space<semaphore_mem>>
      %dma_wait3A_247 = arith.constant 0 : i32
      %dma_wait3A_248 = tpu.memref_slice %arg5[%dma_wait3A_238, %dma_wait3A_247] : memref<4x800xi32, #tpu.memory_space<vmem>> -> memref<1x800xi32, #tpu.memory_space<vmem>>
      %dma_wait3A_249 = tpu.memref_squeeze %dma_wait3A_248 : memref<1x800xi32, #tpu.memory_space<vmem>> -> memref<800xi32, #tpu.memory_space<vmem>>
      %dma_wait3A_250 = arith.constant 0 : i32
      %dma_wait3A_251 = tpu.memref_slice %arg2[%dma_wait3A_250] : memref<3276800xi32, #tpu.memory_space<hbm>> -> memref<800xi32, #tpu.memory_space<hbm>>
      tpu.wait_dma2 semaphore(%dma_wait3A_246 : memref<!tpu.dma_semaphore, #tpu.memory_space<semaphore_mem>>) src(%dma_wait3A_251 : memref<800xi32, #tpu.memory_space<hbm>>) dst(%dma_wait3A_249 : memref<800xi32, #tpu.memory_space<vmem>>)
      %ge3A = arith.constant 4 : i32
      %ge3A_252 = arith.cmpi sge, %add3A_237, %ge3A : i32
      %convert_element_type3A = arith.extui %ge3A_252 : i1 to i32
      %cond3A = arith.constant 0 : i32
      %cond3A_253 = arith.cmpi ne, %convert_element_type3A, %cond3A : i32
      scf.if %cond3A_253 {
        %dma_wait3A_410 = arith.constant 0 : i32
        %dma_wait3A_411 = arith.constant 0 : i32
        %dma_wait3A_412 = arith.constant 0 : i32
        %dma_wait3A_413 = arith.constant 0 : i32
        %dma_wait3A_414 = tpu.memref_slice %arg6[%dma_wait3A_410, %dma_wait3A_412, %dma_wait3A_413] : memref<4x800x32xf32, #tpu.memory_space<vmem>> -> memref<1x800x32xf32, #tpu.memory_space<vmem>>
        %dma_wait3A_415 = tpu.memref_squeeze %dma_wait3A_414 : memref<1x800x32xf32, #tpu.memory_space<vmem>> -> memref<800x32xf32, #tpu.memory_space<vmem>>
        %dma_wait3A_416 = arith.constant 0 : i32
        %dma_wait3A_417 = arith.constant 0 : i32
        %dma_wait3A_418 = tpu.memref_slice %arg4[%dma_wait3A_416, %dma_wait3A_417] : memref<3276800x32xf32, #tpu.memory_space<hbm>> -> memref<800x32xf32, #tpu.memory_space<hbm>>
        %dma_wait3A_419 = tpu.memref_slice %arg9[%dma_wait3A_411] : memref<4x!tpu.dma_semaphore, #tpu.memory_space<semaphore_mem>> -> memref<1x!tpu.dma_semaphore, #tpu.memory_space<semaphore_mem>>
        %dma_wait3A_420 = tpu.memref_squeeze %dma_wait3A_419 : memref<1x!tpu.dma_semaphore, #tpu.memory_space<semaphore_mem>> -> memref<!tpu.dma_semaphore, #tpu.memory_space<semaphore_mem>>
        %dma_wait3A_421 = arith.constant 0 : i32
        %dma_wait3A_422 = arith.constant 0 : i32
        %dma_wait3A_423 = tpu.memref_slice %arg4[%dma_wait3A_421, %dma_wait3A_422] : memref<3276800x32xf32, #tpu.memory_space<hbm>> -> memref<800x32xf32, #tpu.memory_space<hbm>>
        %dma_wait3A_424 = arith.constant 0 : i32
        %dma_wait3A_425 = arith.constant 0 : i32
        %dma_wait3A_426 = tpu.memref_slice %arg6[%dma_wait3A_410, %dma_wait3A_424, %dma_wait3A_425] : memref<4x800x32xf32, #tpu.memory_space<vmem>> -> memref<1x800x32xf32, #tpu.memory_space<vmem>>
        %dma_wait3A_427 = tpu.memref_squeeze %dma_wait3A_426 : memref<1x800x32xf32, #tpu.memory_space<vmem>> -> memref<800x32xf32, #tpu.memory_space<vmem>>
        tpu.wait_dma2 semaphore(%dma_wait3A_420 : memref<!tpu.dma_semaphore, #tpu.memory_space<semaphore_mem>>) src(%dma_wait3A_427 : memref<800x32xf32, #tpu.memory_space<vmem>>) dst(%dma_wait3A_423 : memref<800x32xf32, #tpu.memory_space<hbm>>)
      } else {
      }
      %dma_start3A_254 = arith.constant 0 : i32
      %dma_start3A_255 = arith.constant 0 : i32
      %dma_start3A_256 = arith.constant 0 : i32
      %dma_start3A_257 = arith.constant 0 : i32
      %dma_start3A_258 = arith.constant 0 : i32
      %dma_start3A_259 = tpu.memref_slice %arg6[%dma_start3A_255, %dma_start3A_257, %dma_start3A_258] : memref<4x800x32xf32, #tpu.memory_space<vmem>> -> memref<1x800x32xf32, #tpu.memory_space<vmem>>
      %dma_start3A_260 = tpu.memref_squeeze %dma_start3A_259 : memref<1x800x32xf32, #tpu.memory_space<vmem>> -> memref<800x32xf32, #tpu.memory_space<vmem>>
      %dma_start3A_261 = arith.constant 0 : i32
      %dma_start3A_262 = tpu.memref_slice %arg5[%dma_start3A_254, %dma_start3A_261] : memref<4x800xi32, #tpu.memory_space<vmem>> -> memref<1x800xi32, #tpu.memory_space<vmem>>
      %dma_start3A_263 = tpu.memref_squeeze %dma_start3A_262 : memref<1x800xi32, #tpu.memory_space<vmem>> -> memref<800xi32, #tpu.memory_space<vmem>>
      %dma_start3A_264 = arith.constant 0 : i32
      %dma_start3A_265 = arith.constant 0 : i32
      %dma_start3A_266 = tpu.memref_slice %arg3[%dma_start3A_264, %dma_start3A_265] : memref<1000000x32xf32, #tpu.memory_space<hbm>> -> memref<1000000x32xf32, #tpu.memory_space<hbm>>
      %dma_start3A_267 = tpu.memref_slice %arg8[%dma_start3A_256] : memref<4x!tpu.dma_semaphore, #tpu.memory_space<semaphore_mem>> -> memref<1x!tpu.dma_semaphore, #tpu.memory_space<semaphore_mem>>
      %dma_start3A_268 = tpu.memref_squeeze %dma_start3A_267 : memref<1x!tpu.dma_semaphore, #tpu.memory_space<semaphore_mem>> -> memref<!tpu.dma_semaphore, #tpu.memory_space<semaphore_mem>>
      tpu.enqueue_indirect_dma source(%dma_start3A_266 : memref<1000000x32xf32, #tpu.memory_space<hbm>>) target(%dma_start3A_260 : memref<800x32xf32, #tpu.memory_space<vmem>>) offsets(%dma_start3A_263 : memref<800xi32, #tpu.memory_space<vmem>>) semaphore(%dma_start3A_268 : memref<!tpu.dma_semaphore, #tpu.memory_space<semaphore_mem>>)
      %sub3A = arith.constant 3 : i32
      %sub3A_269 = arith.subi %add3A_237, %sub3A : i32
      %ge3A_270 = arith.constant 0 : i32
      %ge3A_271 = arith.cmpi sge, %sub3A_269, %ge3A_270 : i32
      %convert_element_type3A_272 = arith.extui %ge3A_271 : i1 to i32
      %cond3A_273 = arith.constant 0 : i32
      %cond3A_274 = arith.cmpi ne, %convert_element_type3A_272, %cond3A_273 : i32
      scf.if %cond3A_274 {
        %dma_wait3A_410 = arith.constant 1 : i32
        %dma_wait3A_411 = arith.constant 1 : i32
        %dma_wait3A_412 = arith.constant 1 : i32
        %dma_wait3A_413 = arith.constant 0 : i32
        %dma_wait3A_414 = arith.constant 0 : i32
        %dma_wait3A_415 = tpu.memref_slice %arg6[%dma_wait3A_411, %dma_wait3A_413, %dma_wait3A_414] : memref<4x800x32xf32, #tpu.memory_space<vmem>> -> memref<1x800x32xf32, #tpu.memory_space<vmem>>
        %dma_wait3A_416 = tpu.memref_squeeze %dma_wait3A_415 : memref<1x800x32xf32, #tpu.memory_space<vmem>> -> memref<800x32xf32, #tpu.memory_space<vmem>>
        %dma_wait3A_417 = arith.constant 0 : i32
        %dma_wait3A_418 = tpu.memref_slice %arg5[%dma_wait3A_410, %dma_wait3A_417] : memref<4x800xi32, #tpu.memory_space<vmem>> -> memref<1x800xi32, #tpu.memory_space<vmem>>
        %dma_wait3A_419 = tpu.memref_squeeze %dma_wait3A_418 : memref<1x800xi32, #tpu.memory_space<vmem>> -> memref<800xi32, #tpu.memory_space<vmem>>
        %dma_wait3A_420 = arith.constant 0 : i32
        %dma_wait3A_421 = arith.constant 0 : i32
        %dma_wait3A_422 = tpu.memref_slice %arg3[%dma_wait3A_420, %dma_wait3A_421] : memref<1000000x32xf32, #tpu.memory_space<hbm>> -> memref<1000000x32xf32, #tpu.memory_space<hbm>>
        %dma_wait3A_423 = tpu.memref_slice %arg8[%dma_wait3A_412] : memref<4x!tpu.dma_semaphore, #tpu.memory_space<semaphore_mem>> -> memref<1x!tpu.dma_semaphore, #tpu.memory_space<semaphore_mem>>
        %dma_wait3A_424 = tpu.memref_squeeze %dma_wait3A_423 : memref<1x!tpu.dma_semaphore, #tpu.memory_space<semaphore_mem>> -> memref<!tpu.dma_semaphore, #tpu.memory_space<semaphore_mem>>
        tpu.wait_indirect_dma semaphore(%dma_wait3A_424 : memref<!tpu.dma_semaphore, #tpu.memory_space<semaphore_mem>>) src(%dma_wait3A_422 : memref<1000000x32xf32, #tpu.memory_space<hbm>>) dst(%dma_wait3A_416 : memref<800x32xf32, #tpu.memory_space<vmem>>)
        %add3A_425 = arith.constant 4 : i32
        %add3A_426 = arith.addi %sub3A_269, %add3A_425 : i32
        %lt3A = arith.constant 128 : i32
        %lt3A_427 = arith.cmpi slt, %add3A_426, %lt3A : i32
        %convert_element_type3A_428 = arith.extui %lt3A_427 : i1 to i32
        %cond3A_429 = arith.constant 0 : i32
        %cond3A_430 = arith.cmpi ne, %convert_element_type3A_428, %cond3A_429 : i32
        scf.if %cond3A_430 {
          %add3A_450 = arith.constant 4 : i32
          %add3A_451 = arith.addi %sub3A_269, %add3A_450 : i32
          %mul3A_452 = arith.constant 800 : i32
          %mul3A_453 = arith.muli %add3A_451, %mul3A_452 : i32
          %add3A_454 = arith.addi %mul3A_2, %mul3A_453 : i32
          %dma_start3A_455 = arith.constant 1 : i32
          %dma_start3A_456 = arith.constant 1 : i32
          %dma_start3A_457 = arith.constant 0 : i32
          %dma_start3A_458 = tpu.memref_slice %arg5[%dma_start3A_455, %dma_start3A_457] : memref<4x800xi32, #tpu.memory_space<vmem>> -> memref<1x800xi32, #tpu.memory_space<vmem>>
          %dma_start3A_459 = tpu.memref_squeeze %dma_start3A_458 : memref<1x800xi32, #tpu.memory_space<vmem>> -> memref<800xi32, #tpu.memory_space<vmem>>
          %dma_start3A_460 = tpu.memref_slice %arg2[%add3A_454] : memref<3276800xi32, #tpu.memory_space<hbm>> -> memref<800xi32, #tpu.memory_space<hbm>>
          %dma_start3A_461 = tpu.memref_slice %arg7[%dma_start3A_456] : memref<4x!tpu.dma_semaphore, #tpu.memory_space<semaphore_mem>> -> memref<1x!tpu.dma_semaphore, #tpu.memory_space<semaphore_mem>>
          %dma_start3A_462 = tpu.memref_squeeze %dma_start3A_461 : memref<1x!tpu.dma_semaphore, #tpu.memory_space<semaphore_mem>> -> memref<!tpu.dma_semaphore, #tpu.memory_space<semaphore_mem>>
          %dma_start3A_463 = arith.constant 0 : i32
          %dma_start3A_464 = tpu.memref_slice %arg5[%dma_start3A_455, %dma_start3A_463] : memref<4x800xi32, #tpu.memory_space<vmem>> -> memref<1x800xi32, #tpu.memory_space<vmem>>
          %dma_start3A_465 = tpu.memref_squeeze %dma_start3A_464 : memref<1x800xi32, #tpu.memory_space<vmem>> -> memref<800xi32, #tpu.memory_space<vmem>>
          %dma_start3A_466 = tpu.memref_slice %arg2[%add3A_454] : memref<3276800xi32, #tpu.memory_space<hbm>> -> memref<800xi32, #tpu.memory_space<hbm>>
          tpu.enqueue_dma source(%dma_start3A_466 : memref<800xi32, #tpu.memory_space<hbm>>) target(%dma_start3A_465 : memref<800xi32, #tpu.memory_space<vmem>>) target_semaphore(%dma_start3A_462 : memref<!tpu.dma_semaphore, #tpu.memory_space<semaphore_mem>>)
        } else {
        }
        %mul3A_431 = arith.constant 800 : i32
        %mul3A_432 = arith.muli %sub3A_269, %mul3A_431 : i32
        %add3A_433 = arith.addi %mul3A_2, %mul3A_432 : i32
        %dma_start3A_434 = arith.constant 1 : i32
        %dma_start3A_435 = arith.constant 1 : i32
        %dma_start3A_436 = arith.constant 0 : i32
        %dma_start3A_437 = arith.constant 0 : i32
        %dma_start3A_438 = tpu.memref_slice %arg6[%dma_start3A_434, %dma_start3A_436, %dma_start3A_437] : memref<4x800x32xf32, #tpu.memory_space<vmem>> -> memref<1x800x32xf32, #tpu.memory_space<vmem>>
        %dma_start3A_439 = tpu.memref_squeeze %dma_start3A_438 : memref<1x800x32xf32, #tpu.memory_space<vmem>> -> memref<800x32xf32, #tpu.memory_space<vmem>>
        %dma_start3A_440 = arith.constant 0 : i32
        %dma_start3A_441 = tpu.memref_slice %arg4[%add3A_433, %dma_start3A_440] : memref<3276800x32xf32, #tpu.memory_space<hbm>> -> memref<800x32xf32, #tpu.memory_space<hbm>>
        %dma_start3A_442 = tpu.memref_slice %arg9[%dma_start3A_435] : memref<4x!tpu.dma_semaphore, #tpu.memory_space<semaphore_mem>> -> memref<1x!tpu.dma_semaphore, #tpu.memory_space<semaphore_mem>>
        %dma_start3A_443 = tpu.memref_squeeze %dma_start3A_442 : memref<1x!tpu.dma_semaphore, #tpu.memory_space<semaphore_mem>> -> memref<!tpu.dma_semaphore, #tpu.memory_space<semaphore_mem>>
        %dma_start3A_444 = arith.constant 0 : i32
        %dma_start3A_445 = tpu.memref_slice %arg4[%add3A_433, %dma_start3A_444] : memref<3276800x32xf32, #tpu.memory_space<hbm>> -> memref<800x32xf32, #tpu.memory_space<hbm>>
        %dma_start3A_446 = arith.constant 0 : i32
        %dma_start3A_447 = arith.constant 0 : i32
        %dma_start3A_448 = tpu.memref_slice %arg6[%dma_start3A_434, %dma_start3A_446, %dma_start3A_447] : memref<4x800x32xf32, #tpu.memory_space<vmem>> -> memref<1x800x32xf32, #tpu.memory_space<vmem>>
        %dma_start3A_449 = tpu.memref_squeeze %dma_start3A_448 : memref<1x800x32xf32, #tpu.memory_space<vmem>> -> memref<800x32xf32, #tpu.memory_space<vmem>>
        tpu.enqueue_dma source(%dma_start3A_449 : memref<800x32xf32, #tpu.memory_space<vmem>>) target(%dma_start3A_445 : memref<800x32xf32, #tpu.memory_space<hbm>>) target_semaphore(%dma_start3A_443 : memref<!tpu.dma_semaphore, #tpu.memory_space<semaphore_mem>>)
      } else {
      }
      %mul3A_275 = arith.constant 4 : i32
      %mul3A_276 = arith.muli %scan3A_233, %mul3A_275 : i32
      %add3A_277 = arith.constant 1 : i32
      %add3A_278 = arith.addi %mul3A_276, %add3A_277 : i32
      %dma_wait3A_279 = arith.constant 1 : i32
      %dma_wait3A_280 = arith.constant 1 : i32
      %dma_wait3A_281 = arith.constant 0 : i32
      %dma_wait3A_282 = tpu.memref_slice %arg5[%dma_wait3A_279, %dma_wait3A_281] : memref<4x800xi32, #tpu.memory_space<vmem>> -> memref<1x800xi32, #tpu.memory_space<vmem>>
      %dma_wait3A_283 = tpu.memref_squeeze %dma_wait3A_282 : memref<1x800xi32, #tpu.memory_space<vmem>> -> memref<800xi32, #tpu.memory_space<vmem>>
      %dma_wait3A_284 = arith.constant 0 : i32
      %dma_wait3A_285 = tpu.memref_slice %arg2[%dma_wait3A_284] : memref<3276800xi32, #tpu.memory_space<hbm>> -> memref<800xi32, #tpu.memory_space<hbm>>
      %dma_wait3A_286 = tpu.memref_slice %arg7[%dma_wait3A_280] : memref<4x!tpu.dma_semaphore, #tpu.memory_space<semaphore_mem>> -> memref<1x!tpu.dma_semaphore, #tpu.memory_space<semaphore_mem>>
      %dma_wait3A_287 = tpu.memref_squeeze %dma_wait3A_286 : memref<1x!tpu.dma_semaphore, #tpu.memory_space<semaphore_mem>> -> memref<!tpu.dma_semaphore, #tpu.memory_space<semaphore_mem>>
      %dma_wait3A_288 = arith.constant 0 : i32
      %dma_wait3A_289 = tpu.memref_slice %arg5[%dma_wait3A_279, %dma_wait3A_288] : memref<4x800xi32, #tpu.memory_space<vmem>> -> memref<1x800xi32, #tpu.memory_space<vmem>>
      %dma_wait3A_290 = tpu.memref_squeeze %dma_wait3A_289 : memref<1x800xi32, #tpu.memory_space<vmem>> -> memref<800xi32, #tpu.memory_space<vmem>>
      %dma_wait3A_291 = arith.constant 0 : i32
      %dma_wait3A_292 = tpu.memref_slice %arg2[%dma_wait3A_291] : memref<3276800xi32, #tpu.memory_space<hbm>> -> memref<800xi32, #tpu.memory_space<hbm>>
      tpu.wait_dma2 semaphore(%dma_wait3A_287 : memref<!tpu.dma_semaphore, #tpu.memory_space<semaphore_mem>>) src(%dma_wait3A_292 : memref<800xi32, #tpu.memory_space<hbm>>) dst(%dma_wait3A_290 : memref<800xi32, #tpu.memory_space<vmem>>)
      %ge3A_293 = arith.constant 4 : i32
      %ge3A_294 = arith.cmpi sge, %add3A_278, %ge3A_293 : i32
      %convert_element_type3A_295 = arith.extui %ge3A_294 : i1 to i32
      %cond3A_296 = arith.constant 0 : i32
      %cond3A_297 = arith.cmpi ne, %convert_element_type3A_295, %cond3A_296 : i32
      scf.if %cond3A_297 {
        %dma_wait3A_410 = arith.constant 1 : i32
        %dma_wait3A_411 = arith.constant 1 : i32
        %dma_wait3A_412 = arith.constant 0 : i32
        %dma_wait3A_413 = arith.constant 0 : i32
        %dma_wait3A_414 = tpu.memref_slice %arg6[%dma_wait3A_410, %dma_wait3A_412, %dma_wait3A_413] : memref<4x800x32xf32, #tpu.memory_space<vmem>> -> memref<1x800x32xf32, #tpu.memory_space<vmem>>
        %dma_wait3A_415 = tpu.memref_squeeze %dma_wait3A_414 : memref<1x800x32xf32, #tpu.memory_space<vmem>> -> memref<800x32xf32, #tpu.memory_space<vmem>>
        %dma_wait3A_416 = arith.constant 0 : i32
        %dma_wait3A_417 = arith.constant 0 : i32
        %dma_wait3A_418 = tpu.memref_slice %arg4[%dma_wait3A_416, %dma_wait3A_417] : memref<3276800x32xf32, #tpu.memory_space<hbm>> -> memref<800x32xf32, #tpu.memory_space<hbm>>
        %dma_wait3A_419 = tpu.memref_slice %arg9[%dma_wait3A_411] : memref<4x!tpu.dma_semaphore, #tpu.memory_space<semaphore_mem>> -> memref<1x!tpu.dma_semaphore, #tpu.memory_space<semaphore_mem>>
        %dma_wait3A_420 = tpu.memref_squeeze %dma_wait3A_419 : memref<1x!tpu.dma_semaphore, #tpu.memory_space<semaphore_mem>> -> memref<!tpu.dma_semaphore, #tpu.memory_space<semaphore_mem>>
        %dma_wait3A_421 = arith.constant 0 : i32
        %dma_wait3A_422 = arith.constant 0 : i32
        %dma_wait3A_423 = tpu.memref_slice %arg4[%dma_wait3A_421, %dma_wait3A_422] : memref<3276800x32xf32, #tpu.memory_space<hbm>> -> memref<800x32xf32, #tpu.memory_space<hbm>>
        %dma_wait3A_424 = arith.constant 0 : i32
        %dma_wait3A_425 = arith.constant 0 : i32
        %dma_wait3A_426 = tpu.memref_slice %arg6[%dma_wait3A_410, %dma_wait3A_424, %dma_wait3A_425] : memref<4x800x32xf32, #tpu.memory_space<vmem>> -> memref<1x800x32xf32, #tpu.memory_space<vmem>>
        %dma_wait3A_427 = tpu.memref_squeeze %dma_wait3A_426 : memref<1x800x32xf32, #tpu.memory_space<vmem>> -> memref<800x32xf32, #tpu.memory_space<vmem>>
        tpu.wait_dma2 semaphore(%dma_wait3A_420 : memref<!tpu.dma_semaphore, #tpu.memory_space<semaphore_mem>>) src(%dma_wait3A_427 : memref<800x32xf32, #tpu.memory_space<vmem>>) dst(%dma_wait3A_423 : memref<800x32xf32, #tpu.memory_space<hbm>>)
      } else {
      }
      %dma_start3A_298 = arith.constant 1 : i32
      %dma_start3A_299 = arith.constant 1 : i32
      %dma_start3A_300 = arith.constant 1 : i32
      %dma_start3A_301 = arith.constant 0 : i32
      %dma_start3A_302 = arith.constant 0 : i32
      %dma_start3A_303 = tpu.memref_slice %arg6[%dma_start3A_299, %dma_start3A_301, %dma_start3A_302] : memref<4x800x32xf32, #tpu.memory_space<vmem>> -> memref<1x800x32xf32, #tpu.memory_space<vmem>>
      %dma_start3A_304 = tpu.memref_squeeze %dma_start3A_303 : memref<1x800x32xf32, #tpu.memory_space<vmem>> -> memref<800x32xf32, #tpu.memory_space<vmem>>
      %dma_start3A_305 = arith.constant 0 : i32
      %dma_start3A_306 = tpu.memref_slice %arg5[%dma_start3A_298, %dma_start3A_305] : memref<4x800xi32, #tpu.memory_space<vmem>> -> memref<1x800xi32, #tpu.memory_space<vmem>>
      %dma_start3A_307 = tpu.memref_squeeze %dma_start3A_306 : memref<1x800xi32, #tpu.memory_space<vmem>> -> memref<800xi32, #tpu.memory_space<vmem>>
      %dma_start3A_308 = arith.constant 0 : i32
      %dma_start3A_309 = arith.constant 0 : i32
      %dma_start3A_310 = tpu.memref_slice %arg3[%dma_start3A_308, %dma_start3A_309] : memref<1000000x32xf32, #tpu.memory_space<hbm>> -> memref<1000000x32xf32, #tpu.memory_space<hbm>>
      %dma_start3A_311 = tpu.memref_slice %arg8[%dma_start3A_300] : memref<4x!tpu.dma_semaphore, #tpu.memory_space<semaphore_mem>> -> memref<1x!tpu.dma_semaphore, #tpu.memory_space<semaphore_mem>>
      %dma_start3A_312 = tpu.memref_squeeze %dma_start3A_311 : memref<1x!tpu.dma_semaphore, #tpu.memory_space<semaphore_mem>> -> memref<!tpu.dma_semaphore, #tpu.memory_space<semaphore_mem>>
      tpu.enqueue_indirect_dma source(%dma_start3A_310 : memref<1000000x32xf32, #tpu.memory_space<hbm>>) target(%dma_start3A_304 : memref<800x32xf32, #tpu.memory_space<vmem>>) offsets(%dma_start3A_307 : memref<800xi32, #tpu.memory_space<vmem>>) semaphore(%dma_start3A_312 : memref<!tpu.dma_semaphore, #tpu.memory_space<semaphore_mem>>)
      %sub3A_313 = arith.constant 3 : i32
      %sub3A_314 = arith.subi %add3A_278, %sub3A_313 : i32
      %ge3A_315 = arith.constant 0 : i32
      %ge3A_316 = arith.cmpi sge, %sub3A_314, %ge3A_315 : i32
      %convert_element_type3A_317 = arith.extui %ge3A_316 : i1 to i32
      %cond3A_318 = arith.constant 0 : i32
      %cond3A_319 = arith.cmpi ne, %convert_element_type3A_317, %cond3A_318 : i32
      scf.if %cond3A_319 {
        %dma_wait3A_410 = arith.constant 2 : i32
        %dma_wait3A_411 = arith.constant 2 : i32
        %dma_wait3A_412 = arith.constant 2 : i32
        %dma_wait3A_413 = arith.constant 0 : i32
        %dma_wait3A_414 = arith.constant 0 : i32
        %dma_wait3A_415 = tpu.memref_slice %arg6[%dma_wait3A_411, %dma_wait3A_413, %dma_wait3A_414] : memref<4x800x32xf32, #tpu.memory_space<vmem>> -> memref<1x800x32xf32, #tpu.memory_space<vmem>>
        %dma_wait3A_416 = tpu.memref_squeeze %dma_wait3A_415 : memref<1x800x32xf32, #tpu.memory_space<vmem>> -> memref<800x32xf32, #tpu.memory_space<vmem>>
        %dma_wait3A_417 = arith.constant 0 : i32
        %dma_wait3A_418 = tpu.memref_slice %arg5[%dma_wait3A_410, %dma_wait3A_417] : memref<4x800xi32, #tpu.memory_space<vmem>> -> memref<1x800xi32, #tpu.memory_space<vmem>>
        %dma_wait3A_419 = tpu.memref_squeeze %dma_wait3A_418 : memref<1x800xi32, #tpu.memory_space<vmem>> -> memref<800xi32, #tpu.memory_space<vmem>>
        %dma_wait3A_420 = arith.constant 0 : i32
        %dma_wait3A_421 = arith.constant 0 : i32
        %dma_wait3A_422 = tpu.memref_slice %arg3[%dma_wait3A_420, %dma_wait3A_421] : memref<1000000x32xf32, #tpu.memory_space<hbm>> -> memref<1000000x32xf32, #tpu.memory_space<hbm>>
        %dma_wait3A_423 = tpu.memref_slice %arg8[%dma_wait3A_412] : memref<4x!tpu.dma_semaphore, #tpu.memory_space<semaphore_mem>> -> memref<1x!tpu.dma_semaphore, #tpu.memory_space<semaphore_mem>>
        %dma_wait3A_424 = tpu.memref_squeeze %dma_wait3A_423 : memref<1x!tpu.dma_semaphore, #tpu.memory_space<semaphore_mem>> -> memref<!tpu.dma_semaphore, #tpu.memory_space<semaphore_mem>>
        tpu.wait_indirect_dma semaphore(%dma_wait3A_424 : memref<!tpu.dma_semaphore, #tpu.memory_space<semaphore_mem>>) src(%dma_wait3A_422 : memref<1000000x32xf32, #tpu.memory_space<hbm>>) dst(%dma_wait3A_416 : memref<800x32xf32, #tpu.memory_space<vmem>>)
        %add3A_425 = arith.constant 4 : i32
        %add3A_426 = arith.addi %sub3A_314, %add3A_425 : i32
        %lt3A = arith.constant 128 : i32
        %lt3A_427 = arith.cmpi slt, %add3A_426, %lt3A : i32
        %convert_element_type3A_428 = arith.extui %lt3A_427 : i1 to i32
        %cond3A_429 = arith.constant 0 : i32
        %cond3A_430 = arith.cmpi ne, %convert_element_type3A_428, %cond3A_429 : i32
        scf.if %cond3A_430 {
          %add3A_450 = arith.constant 4 : i32
          %add3A_451 = arith.addi %sub3A_314, %add3A_450 : i32
          %mul3A_452 = arith.constant 800 : i32
          %mul3A_453 = arith.muli %add3A_451, %mul3A_452 : i32
          %add3A_454 = arith.addi %mul3A_2, %mul3A_453 : i32
          %dma_start3A_455 = arith.constant 2 : i32
          %dma_start3A_456 = arith.constant 2 : i32
          %dma_start3A_457 = arith.constant 0 : i32
          %dma_start3A_458 = tpu.memref_slice %arg5[%dma_start3A_455, %dma_start3A_457] : memref<4x800xi32, #tpu.memory_space<vmem>> -> memref<1x800xi32, #tpu.memory_space<vmem>>
          %dma_start3A_459 = tpu.memref_squeeze %dma_start3A_458 : memref<1x800xi32, #tpu.memory_space<vmem>> -> memref<800xi32, #tpu.memory_space<vmem>>
          %dma_start3A_460 = tpu.memref_slice %arg2[%add3A_454] : memref<3276800xi32, #tpu.memory_space<hbm>> -> memref<800xi32, #tpu.memory_space<hbm>>
          %dma_start3A_461 = tpu.memref_slice %arg7[%dma_start3A_456] : memref<4x!tpu.dma_semaphore, #tpu.memory_space<semaphore_mem>> -> memref<1x!tpu.dma_semaphore, #tpu.memory_space<semaphore_mem>>
          %dma_start3A_462 = tpu.memref_squeeze %dma_start3A_461 : memref<1x!tpu.dma_semaphore, #tpu.memory_space<semaphore_mem>> -> memref<!tpu.dma_semaphore, #tpu.memory_space<semaphore_mem>>
          %dma_start3A_463 = arith.constant 0 : i32
          %dma_start3A_464 = tpu.memref_slice %arg5[%dma_start3A_455, %dma_start3A_463] : memref<4x800xi32, #tpu.memory_space<vmem>> -> memref<1x800xi32, #tpu.memory_space<vmem>>
          %dma_start3A_465 = tpu.memref_squeeze %dma_start3A_464 : memref<1x800xi32, #tpu.memory_space<vmem>> -> memref<800xi32, #tpu.memory_space<vmem>>
          %dma_start3A_466 = tpu.memref_slice %arg2[%add3A_454] : memref<3276800xi32, #tpu.memory_space<hbm>> -> memref<800xi32, #tpu.memory_space<hbm>>
          tpu.enqueue_dma source(%dma_start3A_466 : memref<800xi32, #tpu.memory_space<hbm>>) target(%dma_start3A_465 : memref<800xi32, #tpu.memory_space<vmem>>) target_semaphore(%dma_start3A_462 : memref<!tpu.dma_semaphore, #tpu.memory_space<semaphore_mem>>)
        } else {
        }
        %mul3A_431 = arith.constant 800 : i32
        %mul3A_432 = arith.muli %sub3A_314, %mul3A_431 : i32
        %add3A_433 = arith.addi %mul3A_2, %mul3A_432 : i32
        %dma_start3A_434 = arith.constant 2 : i32
        %dma_start3A_435 = arith.constant 2 : i32
        %dma_start3A_436 = arith.constant 0 : i32
        %dma_start3A_437 = arith.constant 0 : i32
        %dma_start3A_438 = tpu.memref_slice %arg6[%dma_start3A_434, %dma_start3A_436, %dma_start3A_437] : memref<4x800x32xf32, #tpu.memory_space<vmem>> -> memref<1x800x32xf32, #tpu.memory_space<vmem>>
        %dma_start3A_439 = tpu.memref_squeeze %dma_start3A_438 : memref<1x800x32xf32, #tpu.memory_space<vmem>> -> memref<800x32xf32, #tpu.memory_space<vmem>>
        %dma_start3A_440 = arith.constant 0 : i32
        %dma_start3A_441 = tpu.memref_slice %arg4[%add3A_433, %dma_start3A_440] : memref<3276800x32xf32, #tpu.memory_space<hbm>> -> memref<800x32xf32, #tpu.memory_space<hbm>>
        %dma_start3A_442 = tpu.memref_slice %arg9[%dma_start3A_435] : memref<4x!tpu.dma_semaphore, #tpu.memory_space<semaphore_mem>> -> memref<1x!tpu.dma_semaphore, #tpu.memory_space<semaphore_mem>>
        %dma_start3A_443 = tpu.memref_squeeze %dma_start3A_442 : memref<1x!tpu.dma_semaphore, #tpu.memory_space<semaphore_mem>> -> memref<!tpu.dma_semaphore, #tpu.memory_space<semaphore_mem>>
        %dma_start3A_444 = arith.constant 0 : i32
        %dma_start3A_445 = tpu.memref_slice %arg4[%add3A_433, %dma_start3A_444] : memref<3276800x32xf32, #tpu.memory_space<hbm>> -> memref<800x32xf32, #tpu.memory_space<hbm>>
        %dma_start3A_446 = arith.constant 0 : i32
        %dma_start3A_447 = arith.constant 0 : i32
        %dma_start3A_448 = tpu.memref_slice %arg6[%dma_start3A_434, %dma_start3A_446, %dma_start3A_447] : memref<4x800x32xf32, #tpu.memory_space<vmem>> -> memref<1x800x32xf32, #tpu.memory_space<vmem>>
        %dma_start3A_449 = tpu.memref_squeeze %dma_start3A_448 : memref<1x800x32xf32, #tpu.memory_space<vmem>> -> memref<800x32xf32, #tpu.memory_space<vmem>>
        tpu.enqueue_dma source(%dma_start3A_449 : memref<800x32xf32, #tpu.memory_space<vmem>>) target(%dma_start3A_445 : memref<800x32xf32, #tpu.memory_space<hbm>>) target_semaphore(%dma_start3A_443 : memref<!tpu.dma_semaphore, #tpu.memory_space<semaphore_mem>>)
      } else {
      }
      %mul3A_320 = arith.constant 4 : i32
      %mul3A_321 = arith.muli %scan3A_233, %mul3A_320 : i32
      %add3A_322 = arith.constant 2 : i32
      %add3A_323 = arith.addi %mul3A_321, %add3A_322 : i32
      %dma_wait3A_324 = arith.constant 2 : i32
      %dma_wait3A_325 = arith.constant 2 : i32
      %dma_wait3A_326 = arith.constant 0 : i32
      %dma_wait3A_327 = tpu.memref_slice %arg5[%dma_wait3A_324, %dma_wait3A_326] : memref<4x800xi32, #tpu.memory_space<vmem>> -> memref<1x800xi32, #tpu.memory_space<vmem>>
      %dma_wait3A_328 = tpu.memref_squeeze %dma_wait3A_327 : memref<1x800xi32, #tpu.memory_space<vmem>> -> memref<800xi32, #tpu.memory_space<vmem>>
      %dma_wait3A_329 = arith.constant 0 : i32
      %dma_wait3A_330 = tpu.memref_slice %arg2[%dma_wait3A_329] : memref<3276800xi32, #tpu.memory_space<hbm>> -> memref<800xi32, #tpu.memory_space<hbm>>
      %dma_wait3A_331 = tpu.memref_slice %arg7[%dma_wait3A_325] : memref<4x!tpu.dma_semaphore, #tpu.memory_space<semaphore_mem>> -> memref<1x!tpu.dma_semaphore, #tpu.memory_space<semaphore_mem>>
      %dma_wait3A_332 = tpu.memref_squeeze %dma_wait3A_331 : memref<1x!tpu.dma_semaphore, #tpu.memory_space<semaphore_mem>> -> memref<!tpu.dma_semaphore, #tpu.memory_space<semaphore_mem>>
      %dma_wait3A_333 = arith.constant 0 : i32
      %dma_wait3A_334 = tpu.memref_slice %arg5[%dma_wait3A_324, %dma_wait3A_333] : memref<4x800xi32, #tpu.memory_space<vmem>> -> memref<1x800xi32, #tpu.memory_space<vmem>>
      %dma_wait3A_335 = tpu.memref_squeeze %dma_wait3A_334 : memref<1x800xi32, #tpu.memory_space<vmem>> -> memref<800xi32, #tpu.memory_space<vmem>>
      %dma_wait3A_336 = arith.constant 0 : i32
      %dma_wait3A_337 = tpu.memref_slice %arg2[%dma_wait3A_336] : memref<3276800xi32, #tpu.memory_space<hbm>> -> memref<800xi32, #tpu.memory_space<hbm>>
      tpu.wait_dma2 semaphore(%dma_wait3A_332 : memref<!tpu.dma_semaphore, #tpu.memory_space<semaphore_mem>>) src(%dma_wait3A_337 : memref<800xi32, #tpu.memory_space<hbm>>) dst(%dma_wait3A_335 : memref<800xi32, #tpu.memory_space<vmem>>)
      %ge3A_338 = arith.constant 4 : i32
      %ge3A_339 = arith.cmpi sge, %add3A_323, %ge3A_338 : i32
      %convert_element_type3A_340 = arith.extui %ge3A_339 : i1 to i32
      %cond3A_341 = arith.constant 0 : i32
      %cond3A_342 = arith.cmpi ne, %convert_element_type3A_340, %cond3A_341 : i32
      scf.if %cond3A_342 {
        %dma_wait3A_410 = arith.constant 2 : i32
        %dma_wait3A_411 = arith.constant 2 : i32
        %dma_wait3A_412 = arith.constant 0 : i32
        %dma_wait3A_413 = arith.constant 0 : i32
        %dma_wait3A_414 = tpu.memref_slice %arg6[%dma_wait3A_410, %dma_wait3A_412, %dma_wait3A_413] : memref<4x800x32xf32, #tpu.memory_space<vmem>> -> memref<1x800x32xf32, #tpu.memory_space<vmem>>
        %dma_wait3A_415 = tpu.memref_squeeze %dma_wait3A_414 : memref<1x800x32xf32, #tpu.memory_space<vmem>> -> memref<800x32xf32, #tpu.memory_space<vmem>>
        %dma_wait3A_416 = arith.constant 0 : i32
        %dma_wait3A_417 = arith.constant 0 : i32
        %dma_wait3A_418 = tpu.memref_slice %arg4[%dma_wait3A_416, %dma_wait3A_417] : memref<3276800x32xf32, #tpu.memory_space<hbm>> -> memref<800x32xf32, #tpu.memory_space<hbm>>
        %dma_wait3A_419 = tpu.memref_slice %arg9[%dma_wait3A_411] : memref<4x!tpu.dma_semaphore, #tpu.memory_space<semaphore_mem>> -> memref<1x!tpu.dma_semaphore, #tpu.memory_space<semaphore_mem>>
        %dma_wait3A_420 = tpu.memref_squeeze %dma_wait3A_419 : memref<1x!tpu.dma_semaphore, #tpu.memory_space<semaphore_mem>> -> memref<!tpu.dma_semaphore, #tpu.memory_space<semaphore_mem>>
        %dma_wait3A_421 = arith.constant 0 : i32
        %dma_wait3A_422 = arith.constant 0 : i32
        %dma_wait3A_423 = tpu.memref_slice %arg4[%dma_wait3A_421, %dma_wait3A_422] : memref<3276800x32xf32, #tpu.memory_space<hbm>> -> memref<800x32xf32, #tpu.memory_space<hbm>>
        %dma_wait3A_424 = arith.constant 0 : i32
        %dma_wait3A_425 = arith.constant 0 : i32
        %dma_wait3A_426 = tpu.memref_slice %arg6[%dma_wait3A_410, %dma_wait3A_424, %dma_wait3A_425] : memref<4x800x32xf32, #tpu.memory_space<vmem>> -> memref<1x800x32xf32, #tpu.memory_space<vmem>>
        %dma_wait3A_427 = tpu.memref_squeeze %dma_wait3A_426 : memref<1x800x32xf32, #tpu.memory_space<vmem>> -> memref<800x32xf32, #tpu.memory_space<vmem>>
        tpu.wait_dma2 semaphore(%dma_wait3A_420 : memref<!tpu.dma_semaphore, #tpu.memory_space<semaphore_mem>>) src(%dma_wait3A_427 : memref<800x32xf32, #tpu.memory_space<vmem>>) dst(%dma_wait3A_423 : memref<800x32xf32, #tpu.memory_space<hbm>>)
      } else {
      }
      %dma_start3A_343 = arith.constant 2 : i32
      %dma_start3A_344 = arith.constant 2 : i32
      %dma_start3A_345 = arith.constant 2 : i32
      %dma_start3A_346 = arith.constant 0 : i32
      %dma_start3A_347 = arith.constant 0 : i32
      %dma_start3A_348 = tpu.memref_slice %arg6[%dma_start3A_344, %dma_start3A_346, %dma_start3A_347] : memref<4x800x32xf32, #tpu.memory_space<vmem>> -> memref<1x800x32xf32, #tpu.memory_space<vmem>>
      %dma_start3A_349 = tpu.memref_squeeze %dma_start3A_348 : memref<1x800x32xf32, #tpu.memory_space<vmem>> -> memref<800x32xf32, #tpu.memory_space<vmem>>
      %dma_start3A_350 = arith.constant 0 : i32
      %dma_start3A_351 = tpu.memref_slice %arg5[%dma_start3A_343, %dma_start3A_350] : memref<4x800xi32, #tpu.memory_space<vmem>> -> memref<1x800xi32, #tpu.memory_space<vmem>>
      %dma_start3A_352 = tpu.memref_squeeze %dma_start3A_351 : memref<1x800xi32, #tpu.memory_space<vmem>> -> memref<800xi32, #tpu.memory_space<vmem>>
      %dma_start3A_353 = arith.constant 0 : i32
      %dma_start3A_354 = arith.constant 0 : i32
      %dma_start3A_355 = tpu.memref_slice %arg3[%dma_start3A_353, %dma_start3A_354] : memref<1000000x32xf32, #tpu.memory_space<hbm>> -> memref<1000000x32xf32, #tpu.memory_space<hbm>>
      %dma_start3A_356 = tpu.memref_slice %arg8[%dma_start3A_345] : memref<4x!tpu.dma_semaphore, #tpu.memory_space<semaphore_mem>> -> memref<1x!tpu.dma_semaphore, #tpu.memory_space<semaphore_mem>>
      %dma_start3A_357 = tpu.memref_squeeze %dma_start3A_356 : memref<1x!tpu.dma_semaphore, #tpu.memory_space<semaphore_mem>> -> memref<!tpu.dma_semaphore, #tpu.memory_space<semaphore_mem>>
      tpu.enqueue_indirect_dma source(%dma_start3A_355 : memref<1000000x32xf32, #tpu.memory_space<hbm>>) target(%dma_start3A_349 : memref<800x32xf32, #tpu.memory_space<vmem>>) offsets(%dma_start3A_352 : memref<800xi32, #tpu.memory_space<vmem>>) semaphore(%dma_start3A_357 : memref<!tpu.dma_semaphore, #tpu.memory_space<semaphore_mem>>)
      %sub3A_358 = arith.constant 3 : i32
      %sub3A_359 = arith.subi %add3A_323, %sub3A_358 : i32
      %ge3A_360 = arith.constant 0 : i32
      %ge3A_361 = arith.cmpi sge, %sub3A_359, %ge3A_360 : i32
      %convert_element_type3A_362 = arith.extui %ge3A_361 : i1 to i32
      %cond3A_363 = arith.constant 0 : i32
      %cond3A_364 = arith.cmpi ne, %convert_element_type3A_362, %cond3A_363 : i32
      scf.if %cond3A_364 {
        %dma_wait3A_410 = arith.constant 3 : i32
        %dma_wait3A_411 = arith.constant 3 : i32
        %dma_wait3A_412 = arith.constant 3 : i32
        %dma_wait3A_413 = arith.constant 0 : i32
        %dma_wait3A_414 = arith.constant 0 : i32
        %dma_wait3A_415 = tpu.memref_slice %arg6[%dma_wait3A_411, %dma_wait3A_413, %dma_wait3A_414] : memref<4x800x32xf32, #tpu.memory_space<vmem>> -> memref<1x800x32xf32, #tpu.memory_space<vmem>>
        %dma_wait3A_416 = tpu.memref_squeeze %dma_wait3A_415 : memref<1x800x32xf32, #tpu.memory_space<vmem>> -> memref<800x32xf32, #tpu.memory_space<vmem>>
        %dma_wait3A_417 = arith.constant 0 : i32
        %dma_wait3A_418 = tpu.memref_slice %arg5[%dma_wait3A_410, %dma_wait3A_417] : memref<4x800xi32, #tpu.memory_space<vmem>> -> memref<1x800xi32, #tpu.memory_space<vmem>>
        %dma_wait3A_419 = tpu.memref_squeeze %dma_wait3A_418 : memref<1x800xi32, #tpu.memory_space<vmem>> -> memref<800xi32, #tpu.memory_space<vmem>>
        %dma_wait3A_420 = arith.constant 0 : i32
        %dma_wait3A_421 = arith.constant 0 : i32
        %dma_wait3A_422 = tpu.memref_slice %arg3[%dma_wait3A_420, %dma_wait3A_421] : memref<1000000x32xf32, #tpu.memory_space<hbm>> -> memref<1000000x32xf32, #tpu.memory_space<hbm>>
        %dma_wait3A_423 = tpu.memref_slice %arg8[%dma_wait3A_412] : memref<4x!tpu.dma_semaphore, #tpu.memory_space<semaphore_mem>> -> memref<1x!tpu.dma_semaphore, #tpu.memory_space<semaphore_mem>>
        %dma_wait3A_424 = tpu.memref_squeeze %dma_wait3A_423 : memref<1x!tpu.dma_semaphore, #tpu.memory_space<semaphore_mem>> -> memref<!tpu.dma_semaphore, #tpu.memory_space<semaphore_mem>>
        tpu.wait_indirect_dma semaphore(%dma_wait3A_424 : memref<!tpu.dma_semaphore, #tpu.memory_space<semaphore_mem>>) src(%dma_wait3A_422 : memref<1000000x32xf32, #tpu.memory_space<hbm>>) dst(%dma_wait3A_416 : memref<800x32xf32, #tpu.memory_space<vmem>>)
        %add3A_425 = arith.constant 4 : i32
        %add3A_426 = arith.addi %sub3A_359, %add3A_425 : i32
        %lt3A = arith.constant 128 : i32
        %lt3A_427 = arith.cmpi slt, %add3A_426, %lt3A : i32
        %convert_element_type3A_428 = arith.extui %lt3A_427 : i1 to i32
        %cond3A_429 = arith.constant 0 : i32
        %cond3A_430 = arith.cmpi ne, %convert_element_type3A_428, %cond3A_429 : i32
        scf.if %cond3A_430 {
          %add3A_450 = arith.constant 4 : i32
          %add3A_451 = arith.addi %sub3A_359, %add3A_450 : i32
          %mul3A_452 = arith.constant 800 : i32
          %mul3A_453 = arith.muli %add3A_451, %mul3A_452 : i32
          %add3A_454 = arith.addi %mul3A_2, %mul3A_453 : i32
          %dma_start3A_455 = arith.constant 3 : i32
          %dma_start3A_456 = arith.constant 3 : i32
          %dma_start3A_457 = arith.constant 0 : i32
          %dma_start3A_458 = tpu.memref_slice %arg5[%dma_start3A_455, %dma_start3A_457] : memref<4x800xi32, #tpu.memory_space<vmem>> -> memref<1x800xi32, #tpu.memory_space<vmem>>
          %dma_start3A_459 = tpu.memref_squeeze %dma_start3A_458 : memref<1x800xi32, #tpu.memory_space<vmem>> -> memref<800xi32, #tpu.memory_space<vmem>>
          %dma_start3A_460 = tpu.memref_slice %arg2[%add3A_454] : memref<3276800xi32, #tpu.memory_space<hbm>> -> memref<800xi32, #tpu.memory_space<hbm>>
          %dma_start3A_461 = tpu.memref_slice %arg7[%dma_start3A_456] : memref<4x!tpu.dma_semaphore, #tpu.memory_space<semaphore_mem>> -> memref<1x!tpu.dma_semaphore, #tpu.memory_space<semaphore_mem>>
          %dma_start3A_462 = tpu.memref_squeeze %dma_start3A_461 : memref<1x!tpu.dma_semaphore, #tpu.memory_space<semaphore_mem>> -> memref<!tpu.dma_semaphore, #tpu.memory_space<semaphore_mem>>
          %dma_start3A_463 = arith.constant 0 : i32
          %dma_start3A_464 = tpu.memref_slice %arg5[%dma_start3A_455, %dma_start3A_463] : memref<4x800xi32, #tpu.memory_space<vmem>> -> memref<1x800xi32, #tpu.memory_space<vmem>>
          %dma_start3A_465 = tpu.memref_squeeze %dma_start3A_464 : memref<1x800xi32, #tpu.memory_space<vmem>> -> memref<800xi32, #tpu.memory_space<vmem>>
          %dma_start3A_466 = tpu.memref_slice %arg2[%add3A_454] : memref<3276800xi32, #tpu.memory_space<hbm>> -> memref<800xi32, #tpu.memory_space<hbm>>
          tpu.enqueue_dma source(%dma_start3A_466 : memref<800xi32, #tpu.memory_space<hbm>>) target(%dma_start3A_465 : memref<800xi32, #tpu.memory_space<vmem>>) target_semaphore(%dma_start3A_462 : memref<!tpu.dma_semaphore, #tpu.memory_space<semaphore_mem>>)
        } else {
        }
        %mul3A_431 = arith.constant 800 : i32
        %mul3A_432 = arith.muli %sub3A_359, %mul3A_431 : i32
        %add3A_433 = arith.addi %mul3A_2, %mul3A_432 : i32
        %dma_start3A_434 = arith.constant 3 : i32
        %dma_start3A_435 = arith.constant 3 : i32
        %dma_start3A_436 = arith.constant 0 : i32
        %dma_start3A_437 = arith.constant 0 : i32
        %dma_start3A_438 = tpu.memref_slice %arg6[%dma_start3A_434, %dma_start3A_436, %dma_start3A_437] : memref<4x800x32xf32, #tpu.memory_space<vmem>> -> memref<1x800x32xf32, #tpu.memory_space<vmem>>
        %dma_start3A_439 = tpu.memref_squeeze %dma_start3A_438 : memref<1x800x32xf32, #tpu.memory_space<vmem>> -> memref<800x32xf32, #tpu.memory_space<vmem>>
        %dma_start3A_440 = arith.constant 0 : i32
        %dma_start3A_441 = tpu.memref_slice %arg4[%add3A_433, %dma_start3A_440] : memref<3276800x32xf32, #tpu.memory_space<hbm>> -> memref<800x32xf32, #tpu.memory_space<hbm>>
        %dma_start3A_442 = tpu.memref_slice %arg9[%dma_start3A_435] : memref<4x!tpu.dma_semaphore, #tpu.memory_space<semaphore_mem>> -> memref<1x!tpu.dma_semaphore, #tpu.memory_space<semaphore_mem>>
        %dma_start3A_443 = tpu.memref_squeeze %dma_start3A_442 : memref<1x!tpu.dma_semaphore, #tpu.memory_space<semaphore_mem>> -> memref<!tpu.dma_semaphore, #tpu.memory_space<semaphore_mem>>
        %dma_start3A_444 = arith.constant 0 : i32
        %dma_start3A_445 = tpu.memref_slice %arg4[%add3A_433, %dma_start3A_444] : memref<3276800x32xf32, #tpu.memory_space<hbm>> -> memref<800x32xf32, #tpu.memory_space<hbm>>
        %dma_start3A_446 = arith.constant 0 : i32
        %dma_start3A_447 = arith.constant 0 : i32
        %dma_start3A_448 = tpu.memref_slice %arg6[%dma_start3A_434, %dma_start3A_446, %dma_start3A_447] : memref<4x800x32xf32, #tpu.memory_space<vmem>> -> memref<1x800x32xf32, #tpu.memory_space<vmem>>
        %dma_start3A_449 = tpu.memref_squeeze %dma_start3A_448 : memref<1x800x32xf32, #tpu.memory_space<vmem>> -> memref<800x32xf32, #tpu.memory_space<vmem>>
        tpu.enqueue_dma source(%dma_start3A_449 : memref<800x32xf32, #tpu.memory_space<vmem>>) target(%dma_start3A_445 : memref<800x32xf32, #tpu.memory_space<hbm>>) target_semaphore(%dma_start3A_443 : memref<!tpu.dma_semaphore, #tpu.memory_space<semaphore_mem>>)
      } else {
      }
      %mul3A_365 = arith.constant 4 : i32
      %mul3A_366 = arith.muli %scan3A_233, %mul3A_365 : i32
      %add3A_367 = arith.constant 3 : i32
      %add3A_368 = arith.addi %mul3A_366, %add3A_367 : i32
      %dma_wait3A_369 = arith.constant 3 : i32
      %dma_wait3A_370 = arith.constant 3 : i32
      %dma_wait3A_371 = arith.constant 0 : i32
      %dma_wait3A_372 = tpu.memref_slice %arg5[%dma_wait3A_369, %dma_wait3A_371] : memref<4x800xi32, #tpu.memory_space<vmem>> -> memref<1x800xi32, #tpu.memory_space<vmem>>
      %dma_wait3A_373 = tpu.memref_squeeze %dma_wait3A_372 : memref<1x800xi32, #tpu.memory_space<vmem>> -> memref<800xi32, #tpu.memory_space<vmem>>
      %dma_wait3A_374 = arith.constant 0 : i32
      %dma_wait3A_375 = tpu.memref_slice %arg2[%dma_wait3A_374] : memref<3276800xi32, #tpu.memory_space<hbm>> -> memref<800xi32, #tpu.memory_space<hbm>>
      %dma_wait3A_376 = tpu.memref_slice %arg7[%dma_wait3A_370] : memref<4x!tpu.dma_semaphore, #tpu.memory_space<semaphore_mem>> -> memref<1x!tpu.dma_semaphore, #tpu.memory_space<semaphore_mem>>
      %dma_wait3A_377 = tpu.memref_squeeze %dma_wait3A_376 : memref<1x!tpu.dma_semaphore, #tpu.memory_space<semaphore_mem>> -> memref<!tpu.dma_semaphore, #tpu.memory_space<semaphore_mem>>
      %dma_wait3A_378 = arith.constant 0 : i32
      %dma_wait3A_379 = tpu.memref_slice %arg5[%dma_wait3A_369, %dma_wait3A_378] : memref<4x800xi32, #tpu.memory_space<vmem>> -> memref<1x800xi32, #tpu.memory_space<vmem>>
      %dma_wait3A_380 = tpu.memref_squeeze %dma_wait3A_379 : memref<1x800xi32, #tpu.memory_space<vmem>> -> memref<800xi32, #tpu.memory_space<vmem>>
      %dma_wait3A_381 = arith.constant 0 : i32
      %dma_wait3A_382 = tpu.memref_slice %arg2[%dma_wait3A_381] : memref<3276800xi32, #tpu.memory_space<hbm>> -> memref<800xi32, #tpu.memory_space<hbm>>
      tpu.wait_dma2 semaphore(%dma_wait3A_377 : memref<!tpu.dma_semaphore, #tpu.memory_space<semaphore_mem>>) src(%dma_wait3A_382 : memref<800xi32, #tpu.memory_space<hbm>>) dst(%dma_wait3A_380 : memref<800xi32, #tpu.memory_space<vmem>>)
      %ge3A_383 = arith.constant 4 : i32
      %ge3A_384 = arith.cmpi sge, %add3A_368, %ge3A_383 : i32
      %convert_element_type3A_385 = arith.extui %ge3A_384 : i1 to i32
      %cond3A_386 = arith.constant 0 : i32
      %cond3A_387 = arith.cmpi ne, %convert_element_type3A_385, %cond3A_386 : i32
      scf.if %cond3A_387 {
        %dma_wait3A_410 = arith.constant 3 : i32
        %dma_wait3A_411 = arith.constant 3 : i32
        %dma_wait3A_412 = arith.constant 0 : i32
        %dma_wait3A_413 = arith.constant 0 : i32
        %dma_wait3A_414 = tpu.memref_slice %arg6[%dma_wait3A_410, %dma_wait3A_412, %dma_wait3A_413] : memref<4x800x32xf32, #tpu.memory_space<vmem>> -> memref<1x800x32xf32, #tpu.memory_space<vmem>>
        %dma_wait3A_415 = tpu.memref_squeeze %dma_wait3A_414 : memref<1x800x32xf32, #tpu.memory_space<vmem>> -> memref<800x32xf32, #tpu.memory_space<vmem>>
        %dma_wait3A_416 = arith.constant 0 : i32
        %dma_wait3A_417 = arith.constant 0 : i32
        %dma_wait3A_418 = tpu.memref_slice %arg4[%dma_wait3A_416, %dma_wait3A_417] : memref<3276800x32xf32, #tpu.memory_space<hbm>> -> memref<800x32xf32, #tpu.memory_space<hbm>>
        %dma_wait3A_419 = tpu.memref_slice %arg9[%dma_wait3A_411] : memref<4x!tpu.dma_semaphore, #tpu.memory_space<semaphore_mem>> -> memref<1x!tpu.dma_semaphore, #tpu.memory_space<semaphore_mem>>
        %dma_wait3A_420 = tpu.memref_squeeze %dma_wait3A_419 : memref<1x!tpu.dma_semaphore, #tpu.memory_space<semaphore_mem>> -> memref<!tpu.dma_semaphore, #tpu.memory_space<semaphore_mem>>
        %dma_wait3A_421 = arith.constant 0 : i32
        %dma_wait3A_422 = arith.constant 0 : i32
        %dma_wait3A_423 = tpu.memref_slice %arg4[%dma_wait3A_421, %dma_wait3A_422] : memref<3276800x32xf32, #tpu.memory_space<hbm>> -> memref<800x32xf32, #tpu.memory_space<hbm>>
        %dma_wait3A_424 = arith.constant 0 : i32
        %dma_wait3A_425 = arith.constant 0 : i32
        %dma_wait3A_426 = tpu.memref_slice %arg6[%dma_wait3A_410, %dma_wait3A_424, %dma_wait3A_425] : memref<4x800x32xf32, #tpu.memory_space<vmem>> -> memref<1x800x32xf32, #tpu.memory_space<vmem>>
        %dma_wait3A_427 = tpu.memref_squeeze %dma_wait3A_426 : memref<1x800x32xf32, #tpu.memory_space<vmem>> -> memref<800x32xf32, #tpu.memory_space<vmem>>
        tpu.wait_dma2 semaphore(%dma_wait3A_420 : memref<!tpu.dma_semaphore, #tpu.memory_space<semaphore_mem>>) src(%dma_wait3A_427 : memref<800x32xf32, #tpu.memory_space<vmem>>) dst(%dma_wait3A_423 : memref<800x32xf32, #tpu.memory_space<hbm>>)
      } else {
      }
      %dma_start3A_388 = arith.constant 3 : i32
      %dma_start3A_389 = arith.constant 3 : i32
      %dma_start3A_390 = arith.constant 3 : i32
      %dma_start3A_391 = arith.constant 0 : i32
      %dma_start3A_392 = arith.constant 0 : i32
      %dma_start3A_393 = tpu.memref_slice %arg6[%dma_start3A_389, %dma_start3A_391, %dma_start3A_392] : memref<4x800x32xf32, #tpu.memory_space<vmem>> -> memref<1x800x32xf32, #tpu.memory_space<vmem>>
      %dma_start3A_394 = tpu.memref_squeeze %dma_start3A_393 : memref<1x800x32xf32, #tpu.memory_space<vmem>> -> memref<800x32xf32, #tpu.memory_space<vmem>>
      %dma_start3A_395 = arith.constant 0 : i32
      %dma_start3A_396 = tpu.memref_slice %arg5[%dma_start3A_388, %dma_start3A_395] : memref<4x800xi32, #tpu.memory_space<vmem>> -> memref<1x800xi32, #tpu.memory_space<vmem>>
      %dma_start3A_397 = tpu.memref_squeeze %dma_start3A_396 : memref<1x800xi32, #tpu.memory_space<vmem>> -> memref<800xi32, #tpu.memory_space<vmem>>
      %dma_start3A_398 = arith.constant 0 : i32
      %dma_start3A_399 = arith.constant 0 : i32
      %dma_start3A_400 = tpu.memref_slice %arg3[%dma_start3A_398, %dma_start3A_399] : memref<1000000x32xf32, #tpu.memory_space<hbm>> -> memref<1000000x32xf32, #tpu.memory_space<hbm>>
      %dma_start3A_401 = tpu.memref_slice %arg8[%dma_start3A_390] : memref<4x!tpu.dma_semaphore, #tpu.memory_space<semaphore_mem>> -> memref<1x!tpu.dma_semaphore, #tpu.memory_space<semaphore_mem>>
      %dma_start3A_402 = tpu.memref_squeeze %dma_start3A_401 : memref<1x!tpu.dma_semaphore, #tpu.memory_space<semaphore_mem>> -> memref<!tpu.dma_semaphore, #tpu.memory_space<semaphore_mem>>
      tpu.enqueue_indirect_dma source(%dma_start3A_400 : memref<1000000x32xf32, #tpu.memory_space<hbm>>) target(%dma_start3A_394 : memref<800x32xf32, #tpu.memory_space<vmem>>) offsets(%dma_start3A_397 : memref<800xi32, #tpu.memory_space<vmem>>) semaphore(%dma_start3A_402 : memref<!tpu.dma_semaphore, #tpu.memory_space<semaphore_mem>>)
      %sub3A_403 = arith.constant 3 : i32
      %sub3A_404 = arith.subi %add3A_368, %sub3A_403 : i32
      %ge3A_405 = arith.constant 0 : i32
      %ge3A_406 = arith.cmpi sge, %sub3A_404, %ge3A_405 : i32
      %convert_element_type3A_407 = arith.extui %ge3A_406 : i1 to i32
      %cond3A_408 = arith.constant 0 : i32
      %cond3A_409 = arith.cmpi ne, %convert_element_type3A_407, %cond3A_408 : i32
      scf.if %cond3A_409 {
        %dma_wait3A_410 = arith.constant 0 : i32
        %dma_wait3A_411 = arith.constant 0 : i32
        %dma_wait3A_412 = arith.constant 0 : i32
        %dma_wait3A_413 = arith.constant 0 : i32
        %dma_wait3A_414 = arith.constant 0 : i32
        %dma_wait3A_415 = tpu.memref_slice %arg6[%dma_wait3A_411, %dma_wait3A_413, %dma_wait3A_414] : memref<4x800x32xf32, #tpu.memory_space<vmem>> -> memref<1x800x32xf32, #tpu.memory_space<vmem>>
        %dma_wait3A_416 = tpu.memref_squeeze %dma_wait3A_415 : memref<1x800x32xf32, #tpu.memory_space<vmem>> -> memref<800x32xf32, #tpu.memory_space<vmem>>
        %dma_wait3A_417 = arith.constant 0 : i32
        %dma_wait3A_418 = tpu.memref_slice %arg5[%dma_wait3A_410, %dma_wait3A_417] : memref<4x800xi32, #tpu.memory_space<vmem>> -> memref<1x800xi32, #tpu.memory_space<vmem>>
        %dma_wait3A_419 = tpu.memref_squeeze %dma_wait3A_418 : memref<1x800xi32, #tpu.memory_space<vmem>> -> memref<800xi32, #tpu.memory_space<vmem>>
        %dma_wait3A_420 = arith.constant 0 : i32
        %dma_wait3A_421 = arith.constant 0 : i32
        %dma_wait3A_422 = tpu.memref_slice %arg3[%dma_wait3A_420, %dma_wait3A_421] : memref<1000000x32xf32, #tpu.memory_space<hbm>> -> memref<1000000x32xf32, #tpu.memory_space<hbm>>
        %dma_wait3A_423 = tpu.memref_slice %arg8[%dma_wait3A_412] : memref<4x!tpu.dma_semaphore, #tpu.memory_space<semaphore_mem>> -> memref<1x!tpu.dma_semaphore, #tpu.memory_space<semaphore_mem>>
        %dma_wait3A_424 = tpu.memref_squeeze %dma_wait3A_423 : memref<1x!tpu.dma_semaphore, #tpu.memory_space<semaphore_mem>> -> memref<!tpu.dma_semaphore, #tpu.memory_space<semaphore_mem>>
        tpu.wait_indirect_dma semaphore(%dma_wait3A_424 : memref<!tpu.dma_semaphore, #tpu.memory_space<semaphore_mem>>) src(%dma_wait3A_422 : memref<1000000x32xf32, #tpu.memory_space<hbm>>) dst(%dma_wait3A_416 : memref<800x32xf32, #tpu.memory_space<vmem>>)
        %add3A_425 = arith.constant 4 : i32
        %add3A_426 = arith.addi %sub3A_404, %add3A_425 : i32
        %lt3A = arith.constant 128 : i32
        %lt3A_427 = arith.cmpi slt, %add3A_426, %lt3A : i32
        %convert_element_type3A_428 = arith.extui %lt3A_427 : i1 to i32
        %cond3A_429 = arith.constant 0 : i32
        %cond3A_430 = arith.cmpi ne, %convert_element_type3A_428, %cond3A_429 : i32
        scf.if %cond3A_430 {
          %add3A_450 = arith.constant 4 : i32
          %add3A_451 = arith.addi %sub3A_404, %add3A_450 : i32
          %mul3A_452 = arith.constant 800 : i32
          %mul3A_453 = arith.muli %add3A_451, %mul3A_452 : i32
          %add3A_454 = arith.addi %mul3A_2, %mul3A_453 : i32
          %dma_start3A_455 = arith.constant 0 : i32
          %dma_start3A_456 = arith.constant 0 : i32
          %dma_start3A_457 = arith.constant 0 : i32
          %dma_start3A_458 = tpu.memref_slice %arg5[%dma_start3A_455, %dma_start3A_457] : memref<4x800xi32, #tpu.memory_space<vmem>> -> memref<1x800xi32, #tpu.memory_space<vmem>>
          %dma_start3A_459 = tpu.memref_squeeze %dma_start3A_458 : memref<1x800xi32, #tpu.memory_space<vmem>> -> memref<800xi32, #tpu.memory_space<vmem>>
          %dma_start3A_460 = tpu.memref_slice %arg2[%add3A_454] : memref<3276800xi32, #tpu.memory_space<hbm>> -> memref<800xi32, #tpu.memory_space<hbm>>
          %dma_start3A_461 = tpu.memref_slice %arg7[%dma_start3A_456] : memref<4x!tpu.dma_semaphore, #tpu.memory_space<semaphore_mem>> -> memref<1x!tpu.dma_semaphore, #tpu.memory_space<semaphore_mem>>
          %dma_start3A_462 = tpu.memref_squeeze %dma_start3A_461 : memref<1x!tpu.dma_semaphore, #tpu.memory_space<semaphore_mem>> -> memref<!tpu.dma_semaphore, #tpu.memory_space<semaphore_mem>>
          %dma_start3A_463 = arith.constant 0 : i32
          %dma_start3A_464 = tpu.memref_slice %arg5[%dma_start3A_455, %dma_start3A_463] : memref<4x800xi32, #tpu.memory_space<vmem>> -> memref<1x800xi32, #tpu.memory_space<vmem>>
          %dma_start3A_465 = tpu.memref_squeeze %dma_start3A_464 : memref<1x800xi32, #tpu.memory_space<vmem>> -> memref<800xi32, #tpu.memory_space<vmem>>
          %dma_start3A_466 = tpu.memref_slice %arg2[%add3A_454] : memref<3276800xi32, #tpu.memory_space<hbm>> -> memref<800xi32, #tpu.memory_space<hbm>>
          tpu.enqueue_dma source(%dma_start3A_466 : memref<800xi32, #tpu.memory_space<hbm>>) target(%dma_start3A_465 : memref<800xi32, #tpu.memory_space<vmem>>) target_semaphore(%dma_start3A_462 : memref<!tpu.dma_semaphore, #tpu.memory_space<semaphore_mem>>)
        } else {
        }
        %mul3A_431 = arith.constant 800 : i32
        %mul3A_432 = arith.muli %sub3A_404, %mul3A_431 : i32
        %add3A_433 = arith.addi %mul3A_2, %mul3A_432 : i32
        %dma_start3A_434 = arith.constant 0 : i32
        %dma_start3A_435 = arith.constant 0 : i32
        %dma_start3A_436 = arith.constant 0 : i32
        %dma_start3A_437 = arith.constant 0 : i32
        %dma_start3A_438 = tpu.memref_slice %arg6[%dma_start3A_434, %dma_start3A_436, %dma_start3A_437] : memref<4x800x32xf32, #tpu.memory_space<vmem>> -> memref<1x800x32xf32, #tpu.memory_space<vmem>>
        %dma_start3A_439 = tpu.memref_squeeze %dma_start3A_438 : memref<1x800x32xf32, #tpu.memory_space<vmem>> -> memref<800x32xf32, #tpu.memory_space<vmem>>
        %dma_start3A_440 = arith.constant 0 : i32
        %dma_start3A_441 = tpu.memref_slice %arg4[%add3A_433, %dma_start3A_440] : memref<3276800x32xf32, #tpu.memory_space<hbm>> -> memref<800x32xf32, #tpu.memory_space<hbm>>
        %dma_start3A_442 = tpu.memref_slice %arg9[%dma_start3A_435] : memref<4x!tpu.dma_semaphore, #tpu.memory_space<semaphore_mem>> -> memref<1x!tpu.dma_semaphore, #tpu.memory_space<semaphore_mem>>
        %dma_start3A_443 = tpu.memref_squeeze %dma_start3A_442 : memref<1x!tpu.dma_semaphore, #tpu.memory_space<semaphore_mem>> -> memref<!tpu.dma_semaphore, #tpu.memory_space<semaphore_mem>>
        %dma_start3A_444 = arith.constant 0 : i32
        %dma_start3A_445 = tpu.memref_slice %arg4[%add3A_433, %dma_start3A_444] : memref<3276800x32xf32, #tpu.memory_space<hbm>> -> memref<800x32xf32, #tpu.memory_space<hbm>>
        %dma_start3A_446 = arith.constant 0 : i32
        %dma_start3A_447 = arith.constant 0 : i32
        %dma_start3A_448 = tpu.memref_slice %arg6[%dma_start3A_434, %dma_start3A_446, %dma_start3A_447] : memref<4x800x32xf32, #tpu.memory_space<vmem>> -> memref<1x800x32xf32, #tpu.memory_space<vmem>>
        %dma_start3A_449 = tpu.memref_squeeze %dma_start3A_448 : memref<1x800x32xf32, #tpu.memory_space<vmem>> -> memref<800x32xf32, #tpu.memory_space<vmem>>
        tpu.enqueue_dma source(%dma_start3A_449 : memref<800x32xf32, #tpu.memory_space<vmem>>) target(%dma_start3A_445 : memref<800x32xf32, #tpu.memory_space<hbm>>) target_semaphore(%dma_start3A_443 : memref<!tpu.dma_semaphore, #tpu.memory_space<semaphore_mem>>)
      } else {
      }
    }
    %scan3A_62 = arith.constant 32 : i32
    %dma_wait3A = arith.constant 1 : i32
    %dma_wait3A_63 = arith.constant 1 : i32
    %dma_wait3A_64 = arith.constant 1 : i32
    %dma_wait3A_65 = arith.constant 0 : i32
    %dma_wait3A_66 = arith.constant 0 : i32
    %dma_wait3A_67 = tpu.memref_slice %arg6[%dma_wait3A_63, %dma_wait3A_65, %dma_wait3A_66] : memref<4x800x32xf32, #tpu.memory_space<vmem>> -> memref<1x800x32xf32, #tpu.memory_space<vmem>>
    %dma_wait3A_68 = tpu.memref_squeeze %dma_wait3A_67 : memref<1x800x32xf32, #tpu.memory_space<vmem>> -> memref<800x32xf32, #tpu.memory_space<vmem>>
    %dma_wait3A_69 = arith.constant 0 : i32
    %dma_wait3A_70 = tpu.memref_slice %arg5[%dma_wait3A, %dma_wait3A_69] : memref<4x800xi32, #tpu.memory_space<vmem>> -> memref<1x800xi32, #tpu.memory_space<vmem>>
    %dma_wait3A_71 = tpu.memref_squeeze %dma_wait3A_70 : memref<1x800xi32, #tpu.memory_space<vmem>> -> memref<800xi32, #tpu.memory_space<vmem>>
    %dma_wait3A_72 = arith.constant 0 : i32
    %dma_wait3A_73 = arith.constant 0 : i32
    %dma_wait3A_74 = tpu.memref_slice %arg3[%dma_wait3A_72, %dma_wait3A_73] : memref<1000000x32xf32, #tpu.memory_space<hbm>> -> memref<1000000x32xf32, #tpu.memory_space<hbm>>
    %dma_wait3A_75 = tpu.memref_slice %arg8[%dma_wait3A_64] : memref<4x!tpu.dma_semaphore, #tpu.memory_space<semaphore_mem>> -> memref<1x!tpu.dma_semaphore, #tpu.memory_space<semaphore_mem>>
    %dma_wait3A_76 = tpu.memref_squeeze %dma_wait3A_75 : memref<1x!tpu.dma_semaphore, #tpu.memory_space<semaphore_mem>> -> memref<!tpu.dma_semaphore, #tpu.memory_space<semaphore_mem>>
    tpu.wait_indirect_dma semaphore(%dma_wait3A_76 : memref<!tpu.dma_semaphore, #tpu.memory_space<semaphore_mem>>) src(%dma_wait3A_74 : memref<1000000x32xf32, #tpu.memory_space<hbm>>) dst(%dma_wait3A_68 : memref<800x32xf32, #tpu.memory_space<vmem>>)
    %add3A_77 = arith.constant 100000 : i32
    %add3A_78 = arith.addi %mul3A_2, %add3A_77 : i32
    %dma_start3A_79 = arith.constant 1 : i32
    %dma_start3A_80 = arith.constant 1 : i32
    %dma_start3A_81 = arith.constant 0 : i32
    %dma_start3A_82 = arith.constant 0 : i32
    %dma_start3A_83 = tpu.memref_slice %arg6[%dma_start3A_79, %dma_start3A_81, %dma_start3A_82] : memref<4x800x32xf32, #tpu.memory_space<vmem>> -> memref<1x800x32xf32, #tpu.memory_space<vmem>>
    %dma_start3A_84 = tpu.memref_squeeze %dma_start3A_83 : memref<1x800x32xf32, #tpu.memory_space<vmem>> -> memref<800x32xf32, #tpu.memory_space<vmem>>
    %dma_start3A_85 = arith.constant 0 : i32
    %dma_start3A_86 = tpu.memref_slice %arg4[%add3A_78, %dma_start3A_85] : memref<3276800x32xf32, #tpu.memory_space<hbm>> -> memref<800x32xf32, #tpu.memory_space<hbm>>
    %dma_start3A_87 = tpu.memref_slice %arg9[%dma_start3A_80] : memref<4x!tpu.dma_semaphore, #tpu.memory_space<semaphore_mem>> -> memref<1x!tpu.dma_semaphore, #tpu.memory_space<semaphore_mem>>
    %dma_start3A_88 = tpu.memref_squeeze %dma_start3A_87 : memref<1x!tpu.dma_semaphore, #tpu.memory_space<semaphore_mem>> -> memref<!tpu.dma_semaphore, #tpu.memory_space<semaphore_mem>>
    %dma_start3A_89 = arith.constant 0 : i32
    %dma_start3A_90 = tpu.memref_slice %arg4[%add3A_78, %dma_start3A_89] : memref<3276800x32xf32, #tpu.memory_space<hbm>> -> memref<800x32xf32, #tpu.memory_space<hbm>>
    %dma_start3A_91 = arith.constant 0 : i32
    %dma_start3A_92 = arith.constant 0 : i32
    %dma_start3A_93 = tpu.memref_slice %arg6[%dma_start3A_79, %dma_start3A_91, %dma_start3A_92] : memref<4x800x32xf32, #tpu.memory_space<vmem>> -> memref<1x800x32xf32, #tpu.memory_space<vmem>>
    %dma_start3A_94 = tpu.memref_squeeze %dma_start3A_93 : memref<1x800x32xf32, #tpu.memory_space<vmem>> -> memref<800x32xf32, #tpu.memory_space<vmem>>
    tpu.enqueue_dma source(%dma_start3A_94 : memref<800x32xf32, #tpu.memory_space<vmem>>) target(%dma_start3A_90 : memref<800x32xf32, #tpu.memory_space<hbm>>) target_semaphore(%dma_start3A_88 : memref<!tpu.dma_semaphore, #tpu.memory_space<semaphore_mem>>)
    %dma_wait3A_95 = arith.constant 2 : i32
    %dma_wait3A_96 = arith.constant 2 : i32
    %dma_wait3A_97 = arith.constant 2 : i32
    %dma_wait3A_98 = arith.constant 0 : i32
    %dma_wait3A_99 = arith.constant 0 : i32
    %dma_wait3A_100 = tpu.memref_slice %arg6[%dma_wait3A_96, %dma_wait3A_98, %dma_wait3A_99] : memref<4x800x32xf32, #tpu.memory_space<vmem>> -> memref<1x800x32xf32, #tpu.memory_space<vmem>>
    %dma_wait3A_101 = tpu.memref_squeeze %dma_wait3A_100 : memref<1x800x32xf32, #tpu.memory_space<vmem>> -> memref<800x32xf32, #tpu.memory_space<vmem>>
    %dma_wait3A_102 = arith.constant 0 : i32
    %dma_wait3A_103 = tpu.memref_slice %arg5[%dma_wait3A_95, %dma_wait3A_102] : memref<4x800xi32, #tpu.memory_space<vmem>> -> memref<1x800xi32, #tpu.memory_space<vmem>>
    %dma_wait3A_104 = tpu.memref_squeeze %dma_wait3A_103 : memref<1x800xi32, #tpu.memory_space<vmem>> -> memref<800xi32, #tpu.memory_space<vmem>>
    %dma_wait3A_105 = arith.constant 0 : i32
    %dma_wait3A_106 = arith.constant 0 : i32
    %dma_wait3A_107 = tpu.memref_slice %arg3[%dma_wait3A_105, %dma_wait3A_106] : memref<1000000x32xf32, #tpu.memory_space<hbm>> -> memref<1000000x32xf32, #tpu.memory_space<hbm>>
    %dma_wait3A_108 = tpu.memref_slice %arg8[%dma_wait3A_97] : memref<4x!tpu.dma_semaphore, #tpu.memory_space<semaphore_mem>> -> memref<1x!tpu.dma_semaphore, #tpu.memory_space<semaphore_mem>>
    %dma_wait3A_109 = tpu.memref_squeeze %dma_wait3A_108 : memref<1x!tpu.dma_semaphore, #tpu.memory_space<semaphore_mem>> -> memref<!tpu.dma_semaphore, #tpu.memory_space<semaphore_mem>>
    tpu.wait_indirect_dma semaphore(%dma_wait3A_109 : memref<!tpu.dma_semaphore, #tpu.memory_space<semaphore_mem>>) src(%dma_wait3A_107 : memref<1000000x32xf32, #tpu.memory_space<hbm>>) dst(%dma_wait3A_101 : memref<800x32xf32, #tpu.memory_space<vmem>>)
    %add3A_110 = arith.constant 100800 : i32
    %add3A_111 = arith.addi %mul3A_2, %add3A_110 : i32
    %dma_start3A_112 = arith.constant 2 : i32
    %dma_start3A_113 = arith.constant 2 : i32
    %dma_start3A_114 = arith.constant 0 : i32
    %dma_start3A_115 = arith.constant 0 : i32
    %dma_start3A_116 = tpu.memref_slice %arg6[%dma_start3A_112, %dma_start3A_114, %dma_start3A_115] : memref<4x800x32xf32, #tpu.memory_space<vmem>> -> memref<1x800x32xf32, #tpu.memory_space<vmem>>
    %dma_start3A_117 = tpu.memref_squeeze %dma_start3A_116 : memref<1x800x32xf32, #tpu.memory_space<vmem>> -> memref<800x32xf32, #tpu.memory_space<vmem>>
    %dma_start3A_118 = arith.constant 0 : i32
    %dma_start3A_119 = tpu.memref_slice %arg4[%add3A_111, %dma_start3A_118] : memref<3276800x32xf32, #tpu.memory_space<hbm>> -> memref<800x32xf32, #tpu.memory_space<hbm>>
    %dma_start3A_120 = tpu.memref_slice %arg9[%dma_start3A_113] : memref<4x!tpu.dma_semaphore, #tpu.memory_space<semaphore_mem>> -> memref<1x!tpu.dma_semaphore, #tpu.memory_space<semaphore_mem>>
    %dma_start3A_121 = tpu.memref_squeeze %dma_start3A_120 : memref<1x!tpu.dma_semaphore, #tpu.memory_space<semaphore_mem>> -> memref<!tpu.dma_semaphore, #tpu.memory_space<semaphore_mem>>
    %dma_start3A_122 = arith.constant 0 : i32
    %dma_start3A_123 = tpu.memref_slice %arg4[%add3A_111, %dma_start3A_122] : memref<3276800x32xf32, #tpu.memory_space<hbm>> -> memref<800x32xf32, #tpu.memory_space<hbm>>
    %dma_start3A_124 = arith.constant 0 : i32
    %dma_start3A_125 = arith.constant 0 : i32
    %dma_start3A_126 = tpu.memref_slice %arg6[%dma_start3A_112, %dma_start3A_124, %dma_start3A_125] : memref<4x800x32xf32, #tpu.memory_space<vmem>> -> memref<1x800x32xf32, #tpu.memory_space<vmem>>
    %dma_start3A_127 = tpu.memref_squeeze %dma_start3A_126 : memref<1x800x32xf32, #tpu.memory_space<vmem>> -> memref<800x32xf32, #tpu.memory_space<vmem>>
    tpu.enqueue_dma source(%dma_start3A_127 : memref<800x32xf32, #tpu.memory_space<vmem>>) target(%dma_start3A_123 : memref<800x32xf32, #tpu.memory_space<hbm>>) target_semaphore(%dma_start3A_121 : memref<!tpu.dma_semaphore, #tpu.memory_space<semaphore_mem>>)
    %dma_wait3A_128 = arith.constant 3 : i32
    %dma_wait3A_129 = arith.constant 3 : i32
    %dma_wait3A_130 = arith.constant 3 : i32
    %dma_wait3A_131 = arith.constant 0 : i32
    %dma_wait3A_132 = arith.constant 0 : i32
    %dma_wait3A_133 = tpu.memref_slice %arg6[%dma_wait3A_129, %dma_wait3A_131, %dma_wait3A_132] : memref<4x800x32xf32, #tpu.memory_space<vmem>> -> memref<1x800x32xf32, #tpu.memory_space<vmem>>
    %dma_wait3A_134 = tpu.memref_squeeze %dma_wait3A_133 : memref<1x800x32xf32, #tpu.memory_space<vmem>> -> memref<800x32xf32, #tpu.memory_space<vmem>>
    %dma_wait3A_135 = arith.constant 0 : i32
    %dma_wait3A_136 = tpu.memref_slice %arg5[%dma_wait3A_128, %dma_wait3A_135] : memref<4x800xi32, #tpu.memory_space<vmem>> -> memref<1x800xi32, #tpu.memory_space<vmem>>
    %dma_wait3A_137 = tpu.memref_squeeze %dma_wait3A_136 : memref<1x800xi32, #tpu.memory_space<vmem>> -> memref<800xi32, #tpu.memory_space<vmem>>
    %dma_wait3A_138 = arith.constant 0 : i32
    %dma_wait3A_139 = arith.constant 0 : i32
    %dma_wait3A_140 = tpu.memref_slice %arg3[%dma_wait3A_138, %dma_wait3A_139] : memref<1000000x32xf32, #tpu.memory_space<hbm>> -> memref<1000000x32xf32, #tpu.memory_space<hbm>>
    %dma_wait3A_141 = tpu.memref_slice %arg8[%dma_wait3A_130] : memref<4x!tpu.dma_semaphore, #tpu.memory_space<semaphore_mem>> -> memref<1x!tpu.dma_semaphore, #tpu.memory_space<semaphore_mem>>
    %dma_wait3A_142 = tpu.memref_squeeze %dma_wait3A_141 : memref<1x!tpu.dma_semaphore, #tpu.memory_space<semaphore_mem>> -> memref<!tpu.dma_semaphore, #tpu.memory_space<semaphore_mem>>
    tpu.wait_indirect_dma semaphore(%dma_wait3A_142 : memref<!tpu.dma_semaphore, #tpu.memory_space<semaphore_mem>>) src(%dma_wait3A_140 : memref<1000000x32xf32, #tpu.memory_space<hbm>>) dst(%dma_wait3A_134 : memref<800x32xf32, #tpu.memory_space<vmem>>)
    %add3A_143 = arith.constant 101600 : i32
    %add3A_144 = arith.addi %mul3A_2, %add3A_143 : i32
    %dma_start3A_145 = arith.constant 3 : i32
    %dma_start3A_146 = arith.constant 3 : i32
    %dma_start3A_147 = arith.constant 0 : i32
    %dma_start3A_148 = arith.constant 0 : i32
    %dma_start3A_149 = tpu.memref_slice %arg6[%dma_start3A_145, %dma_start3A_147, %dma_start3A_148] : memref<4x800x32xf32, #tpu.memory_space<vmem>> -> memref<1x800x32xf32, #tpu.memory_space<vmem>>
    %dma_start3A_150 = tpu.memref_squeeze %dma_start3A_149 : memref<1x800x32xf32, #tpu.memory_space<vmem>> -> memref<800x32xf32, #tpu.memory_space<vmem>>
    %dma_start3A_151 = arith.constant 0 : i32
    %dma_start3A_152 = tpu.memref_slice %arg4[%add3A_144, %dma_start3A_151] : memref<3276800x32xf32, #tpu.memory_space<hbm>> -> memref<800x32xf32, #tpu.memory_space<hbm>>
    %dma_start3A_153 = tpu.memref_slice %arg9[%dma_start3A_146] : memref<4x!tpu.dma_semaphore, #tpu.memory_space<semaphore_mem>> -> memref<1x!tpu.dma_semaphore, #tpu.memory_space<semaphore_mem>>
    %dma_start3A_154 = tpu.memref_squeeze %dma_start3A_153 : memref<1x!tpu.dma_semaphore, #tpu.memory_space<semaphore_mem>> -> memref<!tpu.dma_semaphore, #tpu.memory_space<semaphore_mem>>
    %dma_start3A_155 = arith.constant 0 : i32
    %dma_start3A_156 = tpu.memref_slice %arg4[%add3A_144, %dma_start3A_155] : memref<3276800x32xf32, #tpu.memory_space<hbm>> -> memref<800x32xf32, #tpu.memory_space<hbm>>
    %dma_start3A_157 = arith.constant 0 : i32
    %dma_start3A_158 = arith.constant 0 : i32
    %dma_start3A_159 = tpu.memref_slice %arg6[%dma_start3A_145, %dma_start3A_157, %dma_start3A_158] : memref<4x800x32xf32, #tpu.memory_space<vmem>> -> memref<1x800x32xf32, #tpu.memory_space<vmem>>
    %dma_start3A_160 = tpu.memref_squeeze %dma_start3A_159 : memref<1x800x32xf32, #tpu.memory_space<vmem>> -> memref<800x32xf32, #tpu.memory_space<vmem>>
    tpu.enqueue_dma source(%dma_start3A_160 : memref<800x32xf32, #tpu.memory_space<vmem>>) target(%dma_start3A_156 : memref<800x32xf32, #tpu.memory_space<hbm>>) target_semaphore(%dma_start3A_154 : memref<!tpu.dma_semaphore, #tpu.memory_space<semaphore_mem>>)
    %dma_wait3A_161 = arith.constant 0 : i32
    %dma_wait3A_162 = arith.constant 0 : i32
    %dma_wait3A_163 = arith.constant 0 : i32
    %dma_wait3A_164 = arith.constant 0 : i32
    %dma_wait3A_165 = tpu.memref_slice %arg6[%dma_wait3A_161, %dma_wait3A_163, %dma_wait3A_164] : memref<4x800x32xf32, #tpu.memory_space<vmem>> -> memref<1x800x32xf32, #tpu.memory_space<vmem>>
    %dma_wait3A_166 = tpu.memref_squeeze %dma_wait3A_165 : memref<1x800x32xf32, #tpu.memory_space<vmem>> -> memref<800x32xf32, #tpu.memory_space<vmem>>
    %dma_wait3A_167 = arith.constant 0 : i32
    %dma_wait3A_168 = arith.constant 0 : i32
    %dma_wait3A_169 = tpu.memref_slice %arg4[%dma_wait3A_167, %dma_wait3A_168] : memref<3276800x32xf32, #tpu.memory_space<hbm>> -> memref<800x32xf32, #tpu.memory_space<hbm>>
    %dma_wait3A_170 = tpu.memref_slice %arg9[%dma_wait3A_162] : memref<4x!tpu.dma_semaphore, #tpu.memory_space<semaphore_mem>> -> memref<1x!tpu.dma_semaphore, #tpu.memory_space<semaphore_mem>>
    %dma_wait3A_171 = tpu.memref_squeeze %dma_wait3A_170 : memref<1x!tpu.dma_semaphore, #tpu.memory_space<semaphore_mem>> -> memref<!tpu.dma_semaphore, #tpu.memory_space<semaphore_mem>>
    %dma_wait3A_172 = arith.constant 0 : i32
    %dma_wait3A_173 = arith.constant 0 : i32
    %dma_wait3A_174 = tpu.memref_slice %arg4[%dma_wait3A_172, %dma_wait3A_173] : memref<3276800x32xf32, #tpu.memory_space<hbm>> -> memref<800x32xf32, #tpu.memory_space<hbm>>
    %dma_wait3A_175 = arith.constant 0 : i32
    %dma_wait3A_176 = arith.constant 0 : i32
    %dma_wait3A_177 = tpu.memref_slice %arg6[%dma_wait3A_161, %dma_wait3A_175, %dma_wait3A_176] : memref<4x800x32xf32, #tpu.memory_space<vmem>> -> memref<1x800x32xf32, #tpu.memory_space<vmem>>
    %dma_wait3A_178 = tpu.memref_squeeze %dma_wait3A_177 : memref<1x800x32xf32, #tpu.memory_space<vmem>> -> memref<800x32xf32, #tpu.memory_space<vmem>>
    tpu.wait_dma2 semaphore(%dma_wait3A_171 : memref<!tpu.dma_semaphore, #tpu.memory_space<semaphore_mem>>) src(%dma_wait3A_178 : memref<800x32xf32, #tpu.memory_space<vmem>>) dst(%dma_wait3A_174 : memref<800x32xf32, #tpu.memory_space<hbm>>)
    %dma_wait3A_179 = arith.constant 1 : i32
    %dma_wait3A_180 = arith.constant 1 : i32
    %dma_wait3A_181 = arith.constant 0 : i32
    %dma_wait3A_182 = arith.constant 0 : i32
    %dma_wait3A_183 = tpu.memref_slice %arg6[%dma_wait3A_179, %dma_wait3A_181, %dma_wait3A_182] : memref<4x800x32xf32, #tpu.memory_space<vmem>> -> memref<1x800x32xf32, #tpu.memory_space<vmem>>
    %dma_wait3A_184 = tpu.memref_squeeze %dma_wait3A_183 : memref<1x800x32xf32, #tpu.memory_space<vmem>> -> memref<800x32xf32, #tpu.memory_space<vmem>>
    %dma_wait3A_185 = arith.constant 0 : i32
    %dma_wait3A_186 = arith.constant 0 : i32
    %dma_wait3A_187 = tpu.memref_slice %arg4[%dma_wait3A_185, %dma_wait3A_186] : memref<3276800x32xf32, #tpu.memory_space<hbm>> -> memref<800x32xf32, #tpu.memory_space<hbm>>
    %dma_wait3A_188 = tpu.memref_slice %arg9[%dma_wait3A_180] : memref<4x!tpu.dma_semaphore, #tpu.memory_space<semaphore_mem>> -> memref<1x!tpu.dma_semaphore, #tpu.memory_space<semaphore_mem>>
    %dma_wait3A_189 = tpu.memref_squeeze %dma_wait3A_188 : memref<1x!tpu.dma_semaphore, #tpu.memory_space<semaphore_mem>> -> memref<!tpu.dma_semaphore, #tpu.memory_space<semaphore_mem>>
    %dma_wait3A_190 = arith.constant 0 : i32
    %dma_wait3A_191 = arith.constant 0 : i32
    %dma_wait3A_192 = tpu.memref_slice %arg4[%dma_wait3A_190, %dma_wait3A_191] : memref<3276800x32xf32, #tpu.memory_space<hbm>> -> memref<800x32xf32, #tpu.memory_space<hbm>>
    %dma_wait3A_193 = arith.constant 0 : i32
    %dma_wait3A_194 = arith.constant 0 : i32
    %dma_wait3A_195 = tpu.memref_slice %arg6[%dma_wait3A_179, %dma_wait3A_193, %dma_wait3A_194] : memref<4x800x32xf32, #tpu.memory_space<vmem>> -> memref<1x800x32xf32, #tpu.memory_space<vmem>>
    %dma_wait3A_196 = tpu.memref_squeeze %dma_wait3A_195 : memref<1x800x32xf32, #tpu.memory_space<vmem>> -> memref<800x32xf32, #tpu.memory_space<vmem>>
    tpu.wait_dma2 semaphore(%dma_wait3A_189 : memref<!tpu.dma_semaphore, #tpu.memory_space<semaphore_mem>>) src(%dma_wait3A_196 : memref<800x32xf32, #tpu.memory_space<vmem>>) dst(%dma_wait3A_192 : memref<800x32xf32, #tpu.memory_space<hbm>>)
    %dma_wait3A_197 = arith.constant 2 : i32
    %dma_wait3A_198 = arith.constant 2 : i32
    %dma_wait3A_199 = arith.constant 0 : i32
    %dma_wait3A_200 = arith.constant 0 : i32
    %dma_wait3A_201 = tpu.memref_slice %arg6[%dma_wait3A_197, %dma_wait3A_199, %dma_wait3A_200] : memref<4x800x32xf32, #tpu.memory_space<vmem>> -> memref<1x800x32xf32, #tpu.memory_space<vmem>>
    %dma_wait3A_202 = tpu.memref_squeeze %dma_wait3A_201 : memref<1x800x32xf32, #tpu.memory_space<vmem>> -> memref<800x32xf32, #tpu.memory_space<vmem>>
    %dma_wait3A_203 = arith.constant 0 : i32
    %dma_wait3A_204 = arith.constant 0 : i32
    %dma_wait3A_205 = tpu.memref_slice %arg4[%dma_wait3A_203, %dma_wait3A_204] : memref<3276800x32xf32, #tpu.memory_space<hbm>> -> memref<800x32xf32, #tpu.memory_space<hbm>>
    %dma_wait3A_206 = tpu.memref_slice %arg9[%dma_wait3A_198] : memref<4x!tpu.dma_semaphore, #tpu.memory_space<semaphore_mem>> -> memref<1x!tpu.dma_semaphore, #tpu.memory_space<semaphore_mem>>
    %dma_wait3A_207 = tpu.memref_squeeze %dma_wait3A_206 : memref<1x!tpu.dma_semaphore, #tpu.memory_space<semaphore_mem>> -> memref<!tpu.dma_semaphore, #tpu.memory_space<semaphore_mem>>
    %dma_wait3A_208 = arith.constant 0 : i32
    %dma_wait3A_209 = arith.constant 0 : i32
    %dma_wait3A_210 = tpu.memref_slice %arg4[%dma_wait3A_208, %dma_wait3A_209] : memref<3276800x32xf32, #tpu.memory_space<hbm>> -> memref<800x32xf32, #tpu.memory_space<hbm>>
    %dma_wait3A_211 = arith.constant 0 : i32
    %dma_wait3A_212 = arith.constant 0 : i32
    %dma_wait3A_213 = tpu.memref_slice %arg6[%dma_wait3A_197, %dma_wait3A_211, %dma_wait3A_212] : memref<4x800x32xf32, #tpu.memory_space<vmem>> -> memref<1x800x32xf32, #tpu.memory_space<vmem>>
    %dma_wait3A_214 = tpu.memref_squeeze %dma_wait3A_213 : memref<1x800x32xf32, #tpu.memory_space<vmem>> -> memref<800x32xf32, #tpu.memory_space<vmem>>
    tpu.wait_dma2 semaphore(%dma_wait3A_207 : memref<!tpu.dma_semaphore, #tpu.memory_space<semaphore_mem>>) src(%dma_wait3A_214 : memref<800x32xf32, #tpu.memory_space<vmem>>) dst(%dma_wait3A_210 : memref<800x32xf32, #tpu.memory_space<hbm>>)
    %dma_wait3A_215 = arith.constant 3 : i32
    %dma_wait3A_216 = arith.constant 3 : i32
    %dma_wait3A_217 = arith.constant 0 : i32
    %dma_wait3A_218 = arith.constant 0 : i32
    %dma_wait3A_219 = tpu.memref_slice %arg6[%dma_wait3A_215, %dma_wait3A_217, %dma_wait3A_218] : memref<4x800x32xf32, #tpu.memory_space<vmem>> -> memref<1x800x32xf32, #tpu.memory_space<vmem>>
    %dma_wait3A_220 = tpu.memref_squeeze %dma_wait3A_219 : memref<1x800x32xf32, #tpu.memory_space<vmem>> -> memref<800x32xf32, #tpu.memory_space<vmem>>
    %dma_wait3A_221 = arith.constant 0 : i32
    %dma_wait3A_222 = arith.constant 0 : i32
    %dma_wait3A_223 = tpu.memref_slice %arg4[%dma_wait3A_221, %dma_wait3A_222] : memref<3276800x32xf32, #tpu.memory_space<hbm>> -> memref<800x32xf32, #tpu.memory_space<hbm>>
    %dma_wait3A_224 = tpu.memref_slice %arg9[%dma_wait3A_216] : memref<4x!tpu.dma_semaphore, #tpu.memory_space<semaphore_mem>> -> memref<1x!tpu.dma_semaphore, #tpu.memory_space<semaphore_mem>>
    %dma_wait3A_225 = tpu.memref_squeeze %dma_wait3A_224 : memref<1x!tpu.dma_semaphore, #tpu.memory_space<semaphore_mem>> -> memref<!tpu.dma_semaphore, #tpu.memory_space<semaphore_mem>>
    %dma_wait3A_226 = arith.constant 0 : i32
    %dma_wait3A_227 = arith.constant 0 : i32
    %dma_wait3A_228 = tpu.memref_slice %arg4[%dma_wait3A_226, %dma_wait3A_227] : memref<3276800x32xf32, #tpu.memory_space<hbm>> -> memref<800x32xf32, #tpu.memory_space<hbm>>
    %dma_wait3A_229 = arith.constant 0 : i32
    %dma_wait3A_230 = arith.constant 0 : i32
    %dma_wait3A_231 = tpu.memref_slice %arg6[%dma_wait3A_215, %dma_wait3A_229, %dma_wait3A_230] : memref<4x800x32xf32, #tpu.memory_space<vmem>> -> memref<1x800x32xf32, #tpu.memory_space<vmem>>
    %dma_wait3A_232 = tpu.memref_squeeze %dma_wait3A_231 : memref<1x800x32xf32, #tpu.memory_space<vmem>> -> memref<800x32xf32, #tpu.memory_space<vmem>>
    tpu.wait_dma2 semaphore(%dma_wait3A_225 : memref<!tpu.dma_semaphore, #tpu.memory_space<semaphore_mem>>) src(%dma_wait3A_232 : memref<800x32xf32, #tpu.memory_space<vmem>>) dst(%dma_wait3A_228 : memref<800x32xf32, #tpu.memory_space<hbm>>)
    return
  }
}

</mosaic_0001>

<sc_bundles>
// kernel: _sc_gather.3.cloned.1.call-start
scs
__scs_entry_jumppad:
0x0: {  	(pc) =	sbr.rel $0x88, $3  }
0x1: {  	(tag) =	ssettag $0x0;
	lr =	simm.s32 $0x1  }
0x2: {  	[smem:$0x3F9F] =	sst lr;
	_ =	strace $0xD0000000  }
0x3: {  	_ = 	snop  }
0x4: {  	_ = 	snop  }
0x5: {  	_ = 	snop  }
0x6: {  	_ = 	snop  }
0x7: {  	_ = 	snop  }
__scs_overlays_trampoline_lowered:
0x8: {  	[smem:$0x3FAE] =	sst s0  }
0x9: {  	[smem:$0x3FAF] =	sst s1  }
0xa: {  	[smem:$0x3FB0] =	sst s2  }
0xb: {  	[smem:$0x3FB1] =	sst s3  }
0xc: {  	[smem:$0x3FB2] =	sst s4  }
0xd: {  	[smem:$0x3FB3] =	sst s5  }
0xe: {  	[smem:$0x3FB4] =	sst s6  }
0xf: {  	[smem:$0x3FB5] =	sst s7  }
0x10: {  	[smem:$0x3FB6] =	sst s8  }
0x11: {  	[smem:$0x3FB7] =	sst s9;
	s0 =	simm.s32 @!p0 $0x0  }
0x12: {  	s1 =	sld [smem:$0x3F9D];
	s0 =	simm.s32 @p0 $0x1  }
0x13: {  	[smem:$0x3FB8] =	sst s0;
	s0 =	simm.s32 @!p1 $0x0  }
0x14: {  	s2 =	sld [smem:$0x3F9C];
	s0 =	simm.s32 @p1 $0x1  }
0x15: {  	[smem:$0x3FB9] =	sst s0;
	s0 =	simm.s32 @!p2 $0x0  }
0x16: {  	s3 =	sld [smem:$0x3FDB];
	s0 =	simm.s32 @p2 $0x1  }
0x17: {  	s4 =	simm.s32 $0x1BF5;
	[smem:$0x3FBB] =	sst s0  }
0x18: {  	s0 =	sld [smem:$0x3F9E];
	_ =	swait.ge [sflag:s4], $0x0  }
0x19: {  	s7 =	sld [smem:$0x3F9F]  }
0x1a: {  	s8 =	sadd.s32 $0xFFFFE003, lr  }
0x1b: {  	s9 =	sadd.s32 $0xFFFFFEF7, lr;
	s5 =	simm.s32 $0xFFFFFFFF;
	p2 =	slt.u32 s8, $0xFFFFF086  }
0x1c: {  	p1 =	slt.u32 s9, $0xF7A;
	s5 =	simm.s32 @!p2 $0x0  }
0x1d: {  	s5 =	simm.s32 @p1 $0x1;
	p0 =	seq.s32 s7, s2  }
0x1e: {  	s7 =	smul.u32 @!p0 $0xF7A, s2;
	p2 =	seq.s32 @!p0 s5, $0x0  }
0x1f: {  	s9 =	smul.u32 $0xF7A, s1;
	s8 =	simm.s32 @!p0 $0x1BF5;
	p2 =	por !p2, p0  }
0x20: {  	[sflag:s8] =	ssyncset.s32 @!p0 $0xFFFFF086;
	s6 =	sadd.s32 @!p0 s3, s7;
	s7 =	simm.s32 @!p0 $0x108  }
0x21: {  	s3 =	sadd.s32 s3, s9;
	s6 =	sadd.s32 @!p0 $0x88, s6;
	s7 =	simm.s32 @p2 $0x1082  }
0x22: {  	[simem:s7], [sflag:s8] =	dma.local @!p0 [hbm:s6], $0xF7A  }
0x23: {  	s9 =	sor.u32 $0xD0000000, s2;
	s6 =	simm.s32 $0x108;
	_ =	swait.ge @!p0 [sflag:s8], $0x0  }
0x24: {  	s3 =	sadd.s32 $0x88, s3;
	s6 =	simm.s32 @!p1 $0x1082;
	[sflag:s4] =	ssyncset.s32 $0xFFFFF086  }
0x25: {  	[simem:s6], [sflag:s4] =	dma.local [hbm:s3], $0xF7A  }
0x26: {  	[smem:$0x3F9F] =	sst s1;
	(tag) =	ssettag s2;
	_ =	strace s9  }
0x27: {  	s1 =	sld [smem:$0x3FAF]  }
0x28: {  	s2 =	sld [smem:$0x3FB0]  }
0x29: {  	s4 =	sld [smem:$0x3FB2]  }
0x2a: {  	p0 =	seq.s32 s5, $0x0;
	s5 =	sld [smem:$0x3FB3]  }
0x2b: {  	s6 =	sld [smem:$0x3FB4]  }
0x2c: {  	s7 =	sld [smem:$0x3FB5]  }
0x2d: {  	s3 =	simm.s32 $0x108;
	s8 =	sld [smem:$0x3FB6]  }
0x2e: {  	s3 =	simm.s32 @!p0 $0x1082;
	s9 =	sld [smem:$0x3FB7]  }
0x2f: {  	lr =	sadd.s32 s0, s3;
	s0 =	sld [smem:$0x3FAE]  }
0x30: {  	s3 =	sld [smem:$0x3FB1]  }
0x31: {  	[smem:$0x3FBA] =	sst s10  }
0x32: {  	s10 =	sld [smem:$0x3FB8];
	_ =	sdelay $0x3  }
0x33: {  	p0 =	seq.s32 s10, $0x1;
	s10 =	sld [smem:$0x3FBA];
	_ =	sdelay $0x3  }
0x34: {  	[smem:$0x3FBA] =	sst s10  }
0x35: {  	s10 =	sld [smem:$0x3FB9];
	_ =	sdelay $0x3  }
0x36: {  	p1 =	seq.s32 s10, $0x1;
	s10 =	sld [smem:$0x3FBA];
	_ =	sdelay $0x3  }
0x37: {  	[smem:$0x3FBA] =	sst s10  }
0x38: {  	s10 =	sld [smem:$0x3FBB]  }
0x39: {  	_ = 	snop;
	(pc) =	sbr.ind lr, $3  }
0x3a: {  	_ = 	snop  }
0x3b: {  	_ = 	snop  }
0x3c: {  	p2 =	seq.s32 s10, $0x1;
	s10 =	sld [smem:$0x3FBA]  }
0x3d: {  	_ =	shalt  }
0x3e: {  	_ =	shalt  }
0x3f: {  	_ =	shalt  }
0x40: {  	_ =	shalt  }
0x41: {  	_ =	shalt  }
0x42: {  	_ =	shalt  }
0x43: {  	_ =	shalt  }
0x44: {  	_ =	shalt  }
0x45: {  	_ =	shalt  }
0x46: {  	_ =	shalt  }
0x47: {  	_ =	shalt  }
0x48: {  	_ =	shalt  }
0x49: {  	_ =	shalt  }
0x4a: {  	_ =	shalt  }
0x4b: {  	_ =	shalt  }
0x4c: {  	_ =	shalt  }
0x4d: {  	_ =	shalt  }
0x4e: {  	_ =	shalt  }
0x4f: {  	_ =	shalt  }
0x50: {  	_ =	shalt  }
0x51: {  	_ =	shalt  }
0x52: {  	_ =	shalt  }
0x53: {  	_ =	shalt  }
0x54: {  	_ =	shalt  }
0x55: {  	_ =	shalt  }
0x56: {  	_ =	shalt  }
0x57: {  	_ =	shalt  }
0x58: {  	_ =	shalt  }
0x59: {  	_ =	shalt  }
0x5a: {  	_ =	shalt  }
0x5b: {  	_ =	shalt  }
0x5c: {  	_ =	shalt  }
0x5d: {  	_ =	shalt  }
0x5e: {  	_ =	shalt  }
0x5f: {  	_ =	shalt  }
0x60: {  	_ =	shalt  }
0x61: {  	_ =	shalt  }
0x62: {  	_ =	shalt  }
0x63: {  	_ =	shalt  }
0x64: {  	_ =	shalt  }
0x65: {  	_ =	shalt  }
0x66: {  	_ =	shalt  }
0x67: {  	_ =	shalt  }
0x68: {  	_ =	shalt  }
0x69: {  	_ =	shalt  }
0x6a: {  	_ =	shalt  }
0x6b: {  	_ =	shalt  }
0x6c: {  	_ =	shalt  }
0x6d: {  	_ =	shalt  }
0x6e: {  	_ =	shalt  }
0x6f: {  	_ =	shalt  }
0x70: {  	_ =	shalt  }
0x71: {  	_ =	shalt  }
0x72: {  	_ =	shalt  }
0x73: {  	_ =	shalt  }
0x74: {  	_ =	shalt  }
0x75: {  	_ =	shalt  }
0x76: {  	_ =	shalt  }
0x77: {  	_ =	shalt  }
0x78: {  	_ =	shalt  }
0x79: {  	_ =	shalt  }
0x7a: {  	_ =	shalt  }
0x7b: {  	_ =	shalt  }
0x7c: {  	_ =	shalt  }
0x7d: {  	_ =	shalt  }
0x7e: {  	_ =	shalt  }
0x7f: {  	_ =	shalt  }
0x80: {  	_ =	shalt  }
0x81: {  	_ =	shalt  }
0x82: {  	_ =	shalt  }
0x83: {  	_ =	shalt  }
0x84: {  	_ =	shalt  }
0x85: {  	_ =	shalt  }
0x86: {  	_ =	shalt  }
0x87: {  	_ =	shalt  }
.Lfunc_end0:
.L_simem_size_0:
called_computation.1_lowered:
.L_overlay_start_0:
0x88: {  	s2 =	sld [smem:$0x3FD9]  }
0x89: {  	s3 =	sld [smem:$0x3FFE];
	_ =	sdelay $0x1  }
0x8a: {  	s1 =	srdreg.scid  }
0x8b: {  	s0 =	sand.u32 $0x1, s1  }
0x8c: {  	s17 =	sshll.u32 s0, $0xA;
	s2 =	sadd.s32 s3, s2  }
0x8d: {  	s2 =	sadd.s32 s2, s17  }
0x8e: {  	[smem:$0x3FC6] =	sst s2  }
0x8f: {  	_ = 	snop  }
0x90: {  	s2 =	sld [smem:$0x3FC9]  }
0x91: {  	s18 =	sld [smem:$0x3FD0];
	(tm) =	ssettm $0x1  }
0x92: {  	s4 =	sld [smem:$0x3FFB];
	_ =	sdelay $0x3  }
0x93: {  	_ =	strace s4  }
0x94: {  	s4 =	sld [smem:$0x3FFC];
	_ =	sdelay $0x3  }
0x95: {  	_ =	strace s4  }
0x96: {  	s4 =	sld [smem:$0x3FFD];
	_ =	sdelay $0x3  }
0x97: {  	_ =	strace s4  }
0x98: {  	_ =	strace $0x8FFFFFFF  }
0x99: {  	s19 =	sld [smem:$0x3FDB];
	_ =	sdelay $0x1  }
0x9a: {  	s5 =	simm.s32 $_scs_section_size  }
0x9b: {  	s6 =	simm.s32 $_size__tile_overlayer_lowered;
	s7 =	simm.s32 $_tile_overlayer_lowered  }
0x9c: {  	s22 =	simm.s32 $0x1BFF;
	s21 =	sshll.u32 s7, $0x1;
	s4 =	sadd.s32 s5, s19  }
0x9d: {  	s8 =	simm.s32 $0x0;
	s20 =	sshll.u32 s6, $0x1;
	s6 =	sadd.s32 s21, s4  }
0x9e: {  	[timem:s8], [sflag:s22] =	dma.local [hbm:s6], s20  }
0x9f: {  	_ =	swait.ge [sflag:s22], s20  }
0xa0: {  	s5 =	ssub.s32 $0x0, s20;
	[sflag:s22] =	ssyncset.done $0x0  }
0xa1: {  	[sflag:s22] =	ssyncadd.s32 s5;
	_ =	sdelay $0x1  }
0xa2: {  	s23 =	simm.s32 $0x1B8B  }
0xa3: {  	_ =	swait.ge [sflag:s23], $0x1  }
0xa4: {  	[sflag:s23] =	ssyncset.done $0x0  }
0xa5: {  	s25 =	simm.s32 $0x1B8E;
	s24 =	sld [smem:$0x3FFE];
	[sflag:s23] =	ssyncadd.s32 $0xFFFFFFFF  }
0xa6: {  	s26 =	simm.s32 $execute0_lowered;
	[smem:$0x3FD2] =	sst s25  }
0xa7: {  	s6 =	sshll.u32 s26, $0x1;
	_ =	strace $0x80000046;
	[dreg:$0x1] =	wrdreg $0xFFFFFFFF  }
0xa8: {  	s28 =	simm.s32 $_size_execute0_lowered;
	s4 =	sadd.s32 s4, s6;
	[dreg:$0x0] =	wrdreg $0x0  }
0xa9: {  	s6 =	sshll.u32 s28, $0x1;
	[dreg:$0x2] =	wrdreg s4  }
0xaa: {  	[dreg:$0x3] =	wrdreg s6  }
0xab: {  	[dreg:$0x4] =	wrdreg $0xC0  }
0xac: {  	_ =	task [dreg:s8], $0x5FFFF  }
0xad: {  	[dreg:$0x1] =	wrdreg $0xFFFFFFFF  }
0xae: {  	[dreg:$0x0] =	wrdreg $0x60  }
0xaf: {  	[dreg:$0x2] =	wrdreg s2  }
0xb0: {  	[dreg:$0x3] =	wrdreg s24  }
0xb1: {  	[dreg:$0x4] =	wrdreg s18  }
0xb2: {  	[dreg:$0x5] =	wrdreg $0x9  }
0xb3: {  	_ =	task.clear_ibuf [dreg:s8], $0x6FFFF;
	_ =	strace $0x90000046  }
0xb4: {  	s29 =	simm.s32 $0x9;
	_ =	strace $0x80000048  }
0xb5: {  	_ =	swait.ge [sflag:s29], $0x1  }
0xb6: {  	[sflag:s29] =	ssyncadd.s32 $0xFFFFFFFF  }
0xb7: {  	_ =	strace $0x90000048  }
0xb8: {  	_ =	sfence  }
0xb9: {  	s30 =	sld [smem:$0x0];
	_ =	sdelay $0x2  }
0xba: {  	s31 =	sshll.u32 s1, $0xD;
	s1 =	sshrl.u32 s1, $0x2  }
0xbb: {  	s3 =	sand.u32 $0x4000, s31;
	s1 =	sadd.s32 s1, s30  }
0xbc: {  	s0 =	sor.u32 s3, s0;
	s1 =	sshll.u32 s1, $0x11  }
0xbd: {  	s0 =	sor.u32 s1, s0  }
0xbe: {  	s0 =	sadd.s32 $0x8F2B, s0  }
0xbf: {  	[sflag:s0] =	ssyncadd.remote.s32 $0x1  }
0xc0: {  	_ =	sfence.sel $0xFFFF  }
0xc1: {  	[dreg:$0x0] =	wrdreg $0xFFFFFFFF;
	(pc) =	sbr.abs _section_cstart, $3  }
0xc2: {  	[dreg:$0x1] =	wrdreg $0xFFFFFFFF  }
0xc3: {  	_ =	task.clear_ibuf [dreg:s8], $0x2FFFF;
	_ =	strace $0x9FFFFFFF  }
0xc4: {  	(tm) =	ssettm $0x7FFFFFFF  }
0xc5: {  	_ =	shalt  }
tec
execute0_lowered:
.L_overlay_start_1:
0x0: {  	(tag) =	ssettag $0x1  }
0x1: {  	s0 =	rddreg [dreg:$0x0]  }
0x2: {  	s1 =	rddreg [dreg:$0x1]  }
0x3: {  	s2 =	rddreg [dreg:$0x2]  }
0x4: {  	s4 =	srdreg.scid;
	s11 =	stileid.u32  }
0x5: {  	s3 =	simm.s32 $0x0;
	s28 =	simm.s32 $0xD480;
	s29 =	simm.s32 $0x4  }
0x6: {  	s30 =	simm.s32 $0x13880;
	s31 =	simm.s32 $0x5;
	s10 =	smul.u32 $0x32000, s11  }
0x7: {  	s6 =	sand.u32 $0x1, s4;
	s14 =	sshll.u32 s11, $0x1;
	s23 =	smul.u32 $0xC8000, s11  }
0x8: {  	[smem:$0x7FF] =	sst s3;
	s5 =	sadd.s32 $0xF42C00, s1;
	s16 =	smul.u32 $0x19000, s6  }
0x9: {  	s7 =	sor.u32 s6, s14;
	s15 =	ssub.s32 $0x2, s6;
	s6 =	smul.u32 $0x64000, s6  }
0xa: {  	s11 =	simm.s32 $0xC;
	s4 =	smul.u32 $0x19000, s7;
	s8 =	sshrl.u32 s15, $0x1  }
0xb: {  	_ =	strace $0x80000047;
	s7 =	smul.u32 $0x320000, s7;
	s1 =	ssub.s32 s15, s8  }
0xc: {  	s8 =	sadd.s32 s16, s10;
	s6 =	sadd.s32 s6, s23;
	s23 =	simm.s32 $0xC80  }
0xd: {  	s10 =	simm.s32 $0xB;
	s9 =	sshrl.u32 s4, $0x3;
	s7 =	sshrl.u32 s7, $0x3  }
0xe: {  	s20 =	sor.u32 $0xC80, s8;
	s1 =	smax.u32 s1, $0x1;
	s22 =	sor.u32 $0x960, s8  }
0xf: {  	s24 =	sor.u32 $0x640, s8;
	s8 =	sor.u32 $0x320, s8;
	[dreg:$0xd] =	wrdreg s6  }
0x10: {  	s9 =	sadd.s32 s0, s9;
	s7 =	sadd.s32 s2, s7;
	[dreg:$0xb] =	wrdreg s1  }
0x11: {  	s21 =	sshrl.u32 s20, $0x3;
	s1 =	sshrl.u32 s22, $0x3;
	s25 =	sshrl.u32 s24, $0x3  }
0x12: {  	s26 =	sshrl.u32 s8, $0x3;
	s12 =	sadd.s32 $0x64, s9;
	[dreg:$0x4] =	wrdreg s9  }
0x13: {  	s20 =	simm.s32 $0x640;
	s17 =	sadd.s32 $0xC8, s9;
	[dreg:$0x5] =	wrdreg s12  }
0x14: {  	s22 =	simm.s32 $0x1;
	s9 =	sadd.s32 $0x12C, s9;
	[dreg:$0x6] =	wrdreg s17  }
0x15: {  	s24 =	simm.s32 $0x2;
	s18 =	sadd.s32 $0x61A80, s7;
	[dreg:$0x7] =	wrdreg s9  }
0x16: {  	s8 =	simm.s32 $0x9;
	s19 =	sadd.s32 $0x62700, s7;
	[dreg:$0x8] =	wrdreg s18  }
0x17: {  	s7 =	sadd.s32 $0x63380, s7;
	s14 =	sadd.s32 s21, s0;
	[dreg:$0x9] =	wrdreg s19  }
.Ltmp0:
0x18: {  	s1 =	sadd.s32 s1, s0;
	[dreg:$0xa] =	wrdreg s7;
	(pc) =	sbr.rel .LBB2_1-.Ltmp0, $4  }
0x19: {  	s21 =	simm.s32 $0x960;
	[dreg:$0xc] =	wrdreg s1;
	s17 =	sadd.s32 s25, s0  }
0x1a: {  	s18 =	sadd.s32 s26, s0;
	s19 =	simm.s32 $0x320;
	s25 =	simm.s32 $0x7080  }
0x1b: {  	s26 =	simm.s32 $0x3;
	s0 =	simm.s32 $0x6;
	s1 =	simm.s32 $0x7  }
0x1c: {  	s7 =	simm.s32 $0x8;
	s9 =	simm.s32 $0xA;
	s12 =	simm.s32 $0x0  }
.LBB2_6:
0x1d: {  	_ =	swait.ge [sflag:s0], $0x6400  }
0x1e: {  	[sflag:s0] =	ssyncset.done $0x0  }
0x1f: {  	s6 =	rddreg [dreg:$0x8];
	[sflag:s0] =	ssyncadd.s32 $0xFFFF9C00  }
0x20: {  	[hbm4b:s6+s3] =	stream.linear.scatter [tilespmem:s25], [sflag:$0xA], $0x6400, $0x38;
	[tilespmem:$0x19C80] =	vst v63  }
0x21: {  	_ =	swait.ge [sflag:s1], $0x6400  }
0x22: {  	[sflag:s1] =	ssyncset.done $0x0  }
0x23: {  	s13 =	rddreg [dreg:$0x9];
	[sflag:s1] =	ssyncadd.s32 $0xFFFF9C00  }
0x24: {  	[hbm4b:s13+s3] =	stream.linear.scatter [tilespmem:s28], [sflag:$0xB], $0x6400, $0x38;
	[tilespmem:$0x19C80] =	vst v63  }
0x25: {  	_ =	swait.ge [sflag:s7], $0x6400  }
0x26: {  	[sflag:s7] =	ssyncset.done $0x0  }
0x27: {  	s15 =	rddreg [dreg:$0xa];
	[sflag:s7] =	ssyncadd.s32 $0xFFFF9C00  }
0x28: {  	[hbm4b:s15+s3] =	stream.linear.scatter [tilespmem:s30], [sflag:$0xC], $0x6400, $0x38;
	[tilespmem:$0x19C80] =	vst v63  }
0x29: {  	_ =	swait.ge [sflag:s8], $0x6400  }
0x2a: {  	[sflag:s8] =	ssyncset.done $0x0  }
0x2b: {  	[sflag:s8] =	ssyncadd.s32 $0xFFFF9C00  }
0x2c: {  	_ =	swait.ge [sflag:s9], $0x6400  }
0x2d: {  	[sflag:s9] =	ssyncset.done $0x0  }
0x2e: {  	[sflag:s9] =	ssyncadd.s32 $0xFFFF9C00  }
0x2f: {  	_ =	swait.ge [sflag:s10], $0x6400  }
0x30: {  	[sflag:s10] =	ssyncset.done $0x0  }
0x31: {  	[sflag:s10] =	ssyncadd.s32 $0xFFFF9C00  }
0x32: {  	_ =	swait.ge [sflag:s11], $0x6400  }
0x33: {  	s12 =	rddreg [dreg:$0xe]  }
0x34: {  	s16 =	rddreg [dreg:$0xb];
	s12 =	sadd.s32 $0x1, s12  }
0x35: {  	p0 =	sne.s32 s12, s16  }
.Ltmp1:
0x36: {  	_ = 	snop;
	(pc) =	sbr.rel @!p0 .LBB2_7-.Ltmp1, $3  }
0x37: {  	_ =	sdelay $0x1  }
0x38: {  	[sflag:s11] =	ssyncset.done $0x0  }
0x39: {  	[sflag:s11] =	ssyncadd.s32 $0xFFFF9C00  }
.LBB2_1:
0x3a: {  	[dreg:$0xe] =	wrdreg s12  }
0x3b: {  	s6 =	rddreg [dreg:$0x4]  }
0x3c: {  	[tilespmem:s3], [sflag:$0x1] =	stream.linear.gather [hbm4b:s6+s3], $0x320, $0x38;
	[tilespmem:$0x19C80] =	vst v63  }
0x3d: {  	s13 =	rddreg [dreg:$0x5]  }
0x3e: {  	[tilespmem:s19], [sflag:$0x2] =	stream.linear.gather [hbm4b:s13+s3], $0x320, $0x38;
	[tilespmem:$0x19C80] =	vst v63  }
.Ltmp2:
0x3f: {  	s15 =	rddreg [dreg:$0x6];
	(pc) =	sbr.rel .LBB2_2-.Ltmp2, $4  }
0x40: {  	[tilespmem:s20], [sflag:$0x3] =	stream.linear.gather [hbm4b:s15+s3], $0x320, $0x38;
	[tilespmem:$0x19C80] =	vst v63  }
0x41: {  	s16 =	rddreg [dreg:$0x7]  }
0x42: {  	[tilespmem:s21], [sflag:$0x4] =	stream.linear.gather [hbm4b:s16+s3], $0x320, $0x38;
	[tilespmem:$0x19C80] =	vst v63  }
0x43: {  	s6 =	simm.s32 $0x0;
	s13 =	simm.s32 $0x0;
	s16 =	rddreg [dreg:$0xd]  }
.LBB2_4:
0x44: {  	_ =	swait.ge [sflag:s8], $0x6400  }
0x45: {  	[sflag:s8] =	ssyncset.done $0x0  }
0x46: {  	[sflag:s8] =	ssyncadd.s32 $0xFFFF9C00  }
0x47: {  	[tilespmem:s23], [sflag:$0x5] =	stream.indirect.gather [hbm4b:s5+s19], $0x20, s3, s19, $0xb8;
	[tilespmem:$0x19C80] =	vst v63  }
0x48: {  	_ =	swait.ge [sflag:s0], $0x6400  }
0x49: {  	[sflag:s0] =	ssyncset.done $0x0  }
0x4a: {  	s12 =	sadd.s32 s6, s18;
	s15 =	sadd.s32 $0x1FFFDA80, s16;
	[sflag:s0] =	ssyncadd.s32 $0xFFFF9C00  }
0x4b: {  	[tilespmem:s19], [sflag:$0x2] =	stream.linear.gather [hbm4b:s12+s3], $0x320, $0x38;
	[tilespmem:$0x19C80] =	vst v63  }
0x4c: {  	s12 =	sand.u32 $0x1FFFFE80, s15  }
0x4d: {  	s12 =	sadd.s32 s2, s12  }
0x4e: {  	[hbm4b:s12+s3] =	stream.linear.scatter [tilespmem:s25], [sflag:$0xA], $0x6400, $0x38;
	[tilespmem:$0x19C80] =	vst v63  }
0x4f: {  	_ =	swait.ge [sflag:s24], $0x320  }
0x50: {  	[sflag:s24] =	ssyncset.done $0x0  }
0x51: {  	[sflag:s24] =	ssyncadd.s32 $0xFFFFFCE0  }
0x52: {  	_ =	swait.ge [sflag:s9], $0x6400  }
0x53: {  	[sflag:s9] =	ssyncset.done $0x0  }
0x54: {  	[sflag:s9] =	ssyncadd.s32 $0xFFFF9C00  }
0x55: {  	[tilespmem:s25], [sflag:$0x6] =	stream.indirect.gather [hbm4b:s5+s19], $0x20, s19, s19, $0xb8;
	[tilespmem:$0x19C80] =	vst v63  }
0x56: {  	_ =	swait.ge [sflag:s1], $0x6400  }
0x57: {  	[sflag:s1] =	ssyncset.done $0x0  }
0x58: {  	s15 =	sadd.s32 s6, s17;
	[sflag:s1] =	ssyncadd.s32 $0xFFFF9C00  }
0x59: {  	[tilespmem:s20], [sflag:$0x3] =	stream.linear.gather [hbm4b:s15+s3], $0x320, $0x38;
	[tilespmem:$0x19C80] =	vst v63  }
0x5a: {  	s15 =	sadd.s32 $0x1FFFE700, s16  }
0x5b: {  	s12 =	sand.u32 $0x1FFFFF00, s15  }
0x5c: {  	s12 =	sadd.s32 s2, s12  }
0x5d: {  	[hbm4b:s12+s3] =	stream.linear.scatter [tilespmem:s28], [sflag:$0xB], $0x6400, $0x38;
	[tilespmem:$0x19C80] =	vst v63  }
0x5e: {  	_ =	swait.ge [sflag:s26], $0x320  }
0x5f: {  	[sflag:s26] =	ssyncset.done $0x0  }
0x60: {  	[sflag:s26] =	ssyncadd.s32 $0xFFFFFCE0  }
0x61: {  	_ =	swait.ge [sflag:s10], $0x6400  }
0x62: {  	[sflag:s10] =	ssyncset.done $0x0  }
0x63: {  	[sflag:s10] =	ssyncadd.s32 $0xFFFF9C00  }
0x64: {  	[tilespmem:s28], [sflag:$0x7] =	stream.indirect.gather [hbm4b:s5+s19], $0x20, s20, s19, $0xb8;
	[tilespmem:$0x19C80] =	vst v63  }
0x65: {  	_ =	swait.ge [sflag:s7], $0x6400  }
0x66: {  	[sflag:s7] =	ssyncset.done $0x0;
	s15 =	rddreg [dreg:$0xc]  }
0x67: {  	[sflag:s7] =	ssyncadd.s32 $0xFFFF9C00;
	s12 =	sadd.s32 s6, s15;
	s15 =	sadd.s32 $0x1FFFF380, s16  }
0x68: {  	[tilespmem:s21], [sflag:$0x4] =	stream.linear.gather [hbm4b:s12+s3], $0x320, $0x38;
	[tilespmem:$0x19C80] =	vst v63  }
0x69: {  	s12 =	sand.u32 $0x1FFFFF80, s15  }
0x6a: {  	s12 =	sadd.s32 s2, s12  }
0x6b: {  	[hbm4b:s12+s3] =	stream.linear.scatter [tilespmem:s30], [sflag:$0xC], $0x6400, $0x38;
	[tilespmem:$0x19C80] =	vst v63  }
0x6c: {  	_ =	swait.ge [sflag:s29], $0x320  }
0x6d: {  	[sflag:s29] =	ssyncset.done $0x0  }
0x6e: {  	[sflag:s29] =	ssyncadd.s32 $0xFFFFFCE0  }
0x6f: {  	_ =	swait.ge [sflag:s11], $0x6400  }
0x70: {  	[sflag:s11] =	ssyncset.done $0x0  }
0x71: {  	[sflag:s11] =	ssyncadd.s32 $0xFFFF9C00  }
.LBB2_5:
0x72: {  	[tilespmem:s30], [sflag:$0x8] =	stream.indirect.gather [hbm4b:s5+s19], $0x20, s21, s19, $0xb8;
	[tilespmem:$0x19C80] =	vst v63  }
0x73: {  	p0 =	seq.s32 s6, $0x3070;
	_ =	swait.ge [sflag:s31], $0x6400  }
0x74: {  	s12 =	sadd.s32 @!p0 s6, s14;
	[sflag:s31] =	ssyncset.done $0x0  }
0x75: {  	s15 =	simm.s32 @!p0 $0x0;
	s6 =	sadd.s32 $0x190, s6;
	[sflag:s31] =	ssyncadd.s32 $0xFFFF9C00  }
0x76: {  	[tilespmem:s15], [sflag:$0x1] =	stream.linear.gather @!p0 [hbm4b:s12+s15], $0x320, $0x38;
	[tilespmem:$0x19C80] =	vst v63  }
0x77: {  	s15 =	sadd.s32 $0xC80, s13;
	s13 =	simm.s32 @p0 $0x18380;
	p0 =	sne.s32 s6, $0x3200  }
.Ltmp3:
0x78: {  	s13 =	sadd.s32 s4, s13;
	(pc) =	sbr.rel @!p0 .LBB2_6-.Ltmp3, $4  }
0x79: {  	s13 =	sshll.u32 s13, $0x2  }
0x7a: {  	s13 =	sadd.s32 s2, s13  }
0x7b: {  	[hbm4b:s13+s3] =	stream.linear.scatter [tilespmem:s23], [sflag:$0x9], $0x6400, $0x38;
	[tilespmem:$0x19C80] =	vst v63  }
0x7c: {  	s16 =	sadd.s32 $0x3200, s16;
	s13 =	smov.u32 s15  }
.LBB2_2:
0x7d: {  	p0 =	sne.s32 s6, $0x0  }
.Ltmp4:
0x7e: {  	_ = 	snop;
	(pc) =	sbr.rel @p0 .LBB2_4-.Ltmp4, $4  }
0x7f: {  	_ = 	snop  }
0x80: {  	_ =	swait.ge [sflag:s22], $0x320  }
0x81: {  	[sflag:s22] =	ssyncset.done $0x0  }
0x82: {  	[sflag:s22] =	ssyncadd.s32 $0xFFFFFCE0  }
0x83: {  	[tilespmem:s23], [sflag:$0x5] =	stream.indirect.gather [hbm4b:s5+s19], $0x20, s3, s19, $0xb8;
	[tilespmem:$0x19C80] =	vst v63  }
0x84: {  	_ =	swait.ge [sflag:s24], $0x320  }
0x85: {  	[sflag:s24] =	ssyncset.done $0x0  }
0x86: {  	[sflag:s24] =	ssyncadd.s32 $0xFFFFFCE0  }
0x87: {  	[tilespmem:s25], [sflag:$0x6] =	stream.indirect.gather [hbm4b:s5+s19], $0x20, s19, s19, $0xb8;
	[tilespmem:$0x19C80] =	vst v63  }
0x88: {  	_ =	swait.ge [sflag:s26], $0x320  }
0x89: {  	[sflag:s26] =	ssyncset.done $0x0  }
.Ltmp5:
0x8a: {  	[sflag:s26] =	ssyncadd.s32 $0xFFFFFCE0;
	(pc) =	sbr.rel .LBB2_5-.Ltmp5, $4  }
0x8b: {  	[tilespmem:s28], [sflag:$0x7] =	stream.indirect.gather [hbm4b:s5+s19], $0x20, s20, s19, $0xb8;
	[tilespmem:$0x19C80] =	vst v63  }
0x8c: {  	_ =	swait.ge [sflag:s29], $0x320  }
0x8d: {  	[sflag:s29] =	ssyncset.done $0x0  }
0x8e: {  	[sflag:s29] =	ssyncadd.s32 $0xFFFFFCE0  }
.LBB2_7:
0x8f: {  	_ =	sfence.sel $0x180000  }
0x90: {  	[bflag:$0x0] =	sbarrier.arrive $0xFFFF  }
0x91: {  	_ =	strace $0x90000047  }
0x92: {  	s0 =	stileid.u32;
	[bflag:$0x2] =	sbarrier.arrive $0xFFFF  }
0x93: {  	p0 =	sne.s32 s0, $0x0;
	s0 =	rddreg [dreg:$0x3]  }
0x94: {  	s0 =	sadd.s32 @!p0 $0x100000, s0  }
0x95: {  	[sflag:s0] =	ssyncadd.tile.s32 @!p0 $0x1;
	_ =	shalt  }
.Lfunc_end2:
_tile_overlayer_lowered:
.L_overlay_start_2:
0x96: {  	(tag) =	ssettag $0x2  }
0x97: {  	s0 =	rddreg [dreg:$0x0];
	s2 =	stileid.u32  }
0x98: {  	s1 =	rddreg [dreg:$0x1];
	p0 =	sne.s32 s2, $0x0  }
0x99: {  	s3 =	rddreg [dreg:$0x2];
	[bflag:$0x3] =	sbarrier.arrive $0xFFFF;
	s2 =	simm.s32 @!p0 $0x1C0D  }
0x9a: {  	[timem:s3], [sflag:s2] =	dma.local @!p0 [hbm:s0], s1  }
0x9b: {  	s0 =	simm.s32 @!p0 $0xD  }
0x9c: {  	_ =	swait.ge @!p0 [sflag:s0], s1  }
0x9d: {  	s1 =	ssub.s32 @!p0 $0x0, s1;
	[sflag:s0] =	ssyncset.done @!p0 $0x0  }
0x9e: {  	[sflag:s0] =	ssyncadd.s32 @!p0 s1  }
0x9f: {  	[bflag:$0x3] =	sbarrier.arrive $0xFFFF  }
0xa0: {  	_ =	shalt  }

// kernel: sparse-core-data-format-call.cloned.1.call-start
scs
called_computation_lowered:
.L_overlay_start_0:
0x0: {  	s2 =	sld [smem:$0x3FD9]  }
0x1: {  	s3 =	sld [smem:$0x3FFE];
	_ =	sdelay $0x1  }
0x2: {  	s1 =	srdreg.scid  }
0x3: {  	s0 =	sand.u32 $0x1, s1  }
0x4: {  	s18 =	sshll.u32 s0, $0xA;
	s2 =	sadd.s32 s3, s2  }
0x5: {  	s2 =	sadd.s32 s2, s18  }
0x6: {  	[smem:$0x3FC6] =	sst s2  }
0x7: {  	_ = 	snop  }
0x8: {  	s2 =	sld [smem:$0x3FD0];
	(tm) =	ssettm $0x1  }
0x9: {  	s19 =	sld [smem:$0x3FFB];
	_ =	sdelay $0x3  }
0xa: {  	_ =	strace s19  }
0xb: {  	s3 =	sld [smem:$0x3FFC];
	_ =	sdelay $0x3  }
0xc: {  	_ =	strace s3  }
0xd: {  	s3 =	sld [smem:$0x3FFD];
	_ =	sdelay $0x3  }
0xe: {  	_ =	strace s3  }
0xf: {  	_ =	strace $0x8FFFFFFF  }
0x10: {  	s20 =	sld [smem:$0x3FDB];
	_ =	sdelay $0x1  }
0x11: {  	s4 =	simm.s32 $_scs_section_size  }
0x12: {  	s5 =	simm.s32 $_size__tile_overlayer_lowered;
	s6 =	simm.s32 $_tile_overlayer_lowered  }
0x13: {  	s23 =	simm.s32 $0x1BFF;
	s22 =	sshll.u32 s6, $0x1;
	s3 =	sadd.s32 s4, s20  }
0x14: {  	s7 =	simm.s32 $0x0;
	s21 =	sshll.u32 s5, $0x1;
	s5 =	sadd.s32 s22, s3  }
0x15: {  	[timem:s7], [sflag:s23] =	dma.local [hbm:s5], s21  }
0x16: {  	_ =	swait.ge [sflag:s23], s21  }
0x17: {  	s4 =	ssub.s32 $0x0, s21;
	[sflag:s23] =	ssyncset.done $0x0  }
0x18: {  	[sflag:s23] =	ssyncadd.s32 s4;
	_ =	sdelay $0x1  }
0x19: {  	s24 =	simm.s32 $0x1B8B  }
0x1a: {  	_ =	swait.ge [sflag:s24], $0x1  }
0x1b: {  	[sflag:s24] =	ssyncset.done $0x0  }
0x1c: {  	s26 =	simm.s32 $0x1B8E;
	s25 =	sld [smem:$0x3FFE];
	[sflag:s24] =	ssyncadd.s32 $0xFFFFFFFF  }
0x1d: {  	s27 =	simm.s32 $execute0_lowered;
	[smem:$0x3FD2] =	sst s26  }
0x1e: {  	s5 =	sshll.u32 s27, $0x1;
	_ =	strace $0x80000049;
	[dreg:$0x1] =	wrdreg $0xFFFFFFFF  }
0x1f: {  	s28 =	simm.s32 $_size_execute0_lowered;
	s3 =	sadd.s32 s3, s5;
	[dreg:$0x0] =	wrdreg $0x0  }
0x20: {  	s5 =	sshll.u32 s28, $0x1;
	[dreg:$0x2] =	wrdreg s3  }
0x21: {  	[dreg:$0x3] =	wrdreg s5  }
0x22: {  	[dreg:$0x4] =	wrdreg $0xC0  }
0x23: {  	_ =	task [dreg:s7], $0x5FFFF  }
0x24: {  	[dreg:$0x1] =	wrdreg $0xFFFFFFFF  }
0x25: {  	[dreg:$0x0] =	wrdreg $0x60  }
0x26: {  	[dreg:$0x2] =	wrdreg s25  }
0x27: {  	[dreg:$0x3] =	wrdreg s2  }
0x28: {  	[dreg:$0x4] =	wrdreg $0x9  }
0x29: {  	_ =	task.clear_ibuf [dreg:s7], $0x5FFFF;
	_ =	strace $0x90000049  }
0x2a: {  	s29 =	simm.s32 $0x9;
	_ =	strace $0x8000004B  }
0x2b: {  	_ =	swait.ge [sflag:s29], $0x1  }
0x2c: {  	[sflag:s29] =	ssyncadd.s32 $0xFFFFFFFF  }
0x2d: {  	_ =	strace $0x9000004B  }
0x2e: {  	_ =	sfence  }
0x2f: {  	s30 =	sld [smem:$0x0];
	_ =	sdelay $0x2  }
0x30: {  	s31 =	sshll.u32 s1, $0xD;
	s1 =	sshrl.u32 s1, $0x2  }
0x31: {  	s3 =	sand.u32 $0x4000, s31;
	s1 =	sadd.s32 s1, s30  }
0x32: {  	s0 =	sor.u32 s3, s0;
	s1 =	sshll.u32 s1, $0x11  }
0x33: {  	s0 =	sor.u32 s1, s0  }
0x34: {  	s0 =	sadd.s32 $0x8F2B, s0  }
0x35: {  	[sflag:s0] =	ssyncadd.remote.s32 $0x1  }
0x36: {  	_ =	sfence.sel $0xFFFF  }
0x37: {  	[dreg:$0x0] =	wrdreg $0xFFFFFFFF;
	(pc) =	sbr.abs _section_cstart, $3  }
0x38: {  	[dreg:$0x1] =	wrdreg $0xFFFFFFFF  }
0x39: {  	_ =	task.clear_ibuf [dreg:s7], $0x2FFFF;
	_ =	strace $0x9FFFFFFF  }
0x3a: {  	(tm) =	ssettm $0x7FFFFFFF  }
0x3b: {  	_ =	shalt  }
tec
execute0_lowered:
.L_overlay_start_1:
0x0: {  	(tag) =	ssettag $0x1  }
0x1: {  	s0 =	srdreg.scid  }
0x2: {  	s1 =	sshll.u32 s0, $0x4  }
0x3: {  	s4 =	rddreg [dreg:$0x0];
	s0 =	stileid.u32;
	s1 =	sand.u32 $0x10, s1  }
0x4: {  	s2 =	rddreg [dreg:$0x1];
	s7 =	simm.s32 $0x1;
	s1 =	sor.u32 s0, s1  }
0x5: {  	s8 =	simm.s32 $0x2;
	s11 =	simm.s32 $0x0;
	s3 =	sshll.u32 s1, $0x7  }
0x6: {  	s10 =	simm.s32 $0x0;
	s4 =	sadd.s32 $0x800, s4;
	s6 =	ssub.s32 $0x320000, s3  }
.Ltmp0:
0x7: {  	s1 =	rddreg [dreg:$0x2];
	s5 =	sand.u32 $0xF80, s6;
	(pc) =	sbr.rel .LBB1_1-.Ltmp0, $4  }
0x8: {  	_ =	strace $0x8000004A;
	s9 =	smov.u32 s3;
	p0 =	sne.s32 s5, $0x0  }
0x9: {  	s6 =	sshrl.u32 s6, $0xC;
	s5 =	simm.s32 $0x1;
	s7 =	simm.s32 @!p0 $0x0  }
0xa: {  	[sflag:s5] =	ssyncpa.u1 $0x0;
	p0 =	por $0x0, $0x0;
	s6 =	sadd.s32 s7, s6  }
0xb: {  	[sflag:s8] =	ssyncpa.u1 $0x0;
	s8 =	simm.s32 $0x1900000;
	s7 =	sadd.s32 $0x1, s6  }
.LBB1_4:
0xc: {  	s14 =	sshll.u32 s11, $0x3  }
0xd: {  	s30 =	sand.u32 $0x7F, s11;
	s15 =	sand.u32 $0xFFFFFC00, s14  }
0xe: {  	s11 =	sor.u32 s30, s15  }
0xf: {  	s15 =	smulhi.u32 $0x51EB851F, s11  }
0x10: {  	s14 =	smulhi.u32 $0x51EB851F, s14  }
0x11: {  	s15 =	sshrl.u32 s15, $0x14  }
0x12: {  	s14 =	sshrl.u32 s14, $0x14;
	s15 =	smul.u32 $0x320000, s15  }
0x13: {  	s14 =	sand.u32 $0x1F, s14  }
0x14: {  	s14 =	smul.u32 $0x64000, s14;
	s11 =	ssub.s32 s11, s15  }
0x15: {  	s15 =	sand.u32 $0x7, s11  }
0x16: {  	s14 =	sadd.s32 s2, s14;
	s11 =	sshrl.u32 s11, $0x3;
	s15 =	sshll.u32 s15, $0x12  }
0x17: {  	[tilespmem:s13+$0x0 ss:$0x81] =	vst.msk $0xffff, v0;
	s11 =	sadd.s32 s11, s14;
	s31 =	sor.u32 $0x400, s15  }
0x18: {  	[hbm4b:s11+s31] =	stream.strided.scatter [tilespmem:s12], [sflag:$0x2], $0x1000, s8, s31, $0x20;
	[tilespmem:$0x4040] =	vst v63  }
.LBB1_5:
0x19: {  	s13 =	sadd.s32 $0x1000, s9  }
0x1a: {  	p2 =	sgt.s32 s13, $0x31FFFF  }
0x1b: {  	s13 =	smov.u32 @p2 s3;
	p2 =	sne.s32 s10, s7  }
.Ltmp1:
0x1c: {  	p1 =	slt.u32 s10, $0x2;
	(pc) =	sbr.rel @!p2 .LBB1_6-.Ltmp1, $4  }
0x1d: {  	s12 =	simm.s32 @!p1 $0x2  }
0x1e: {  	s14 =	sadd.s32 $0x1, s10;
	_ =	swait.ge @!p1 [sflag:s12], $0x1000  }
0x1f: {  	s11 =	smov.u32 s9;
	p0 =	por !p0, !p0;
	[sflag:s12] =	ssyncset.done @!p1 $0x0  }
0x20: {  	s10 =	smov.u32 s14;
	s9 =	smov.u32 s13;
	[sflag:s12] =	ssyncadd.s32 @!p1 $0xFFFFF000  }
.LBB1_1:
0x21: {  	p1 =	sge.u32 s10, s6  }
0x22: {  	s12 =	sand.u32 @!p1 $0x1FFFFFF, s9  }
0x23: {  	s13 =	smulhi.u32 @!p1 $0x147AE15, s12;
	_ =	sdelay $0x1  }
0x24: {  	s13 =	sshrl.u32 @!p1 s13, $0xE  }
0x25: {  	s13 =	smul.u32 @!p1 $0x320000, s13;
	_ =	sdelay $0x1  }
0x26: {  	s31 =	sadd.s32 $0xFFFFFFFF, s10;
	s14 =	sxor.u32 @!p1 $0xFFFFFFFF, s10;
	s12 =	ssub.s32 @!p1 s12, s13  }
0x27: {  	s15 =	simm.s32 @!p1 $0x80;
	s14 =	sshll.u32 @!p1 s14, $0xC;
	s12 =	sshll.u32 @!p1 s12, $0x4  }
0x28: {  	s13 =	sand.u32 @!p1 $0x1000, s14;
	s14 =	simm.s32 @!p1 $0x20;
	s12 =	sadd.s32 @!p1 s4, s12  }
0x29: {  	[tilespmem:s13], [sflag:$0x1] =	stream.strided.gather @!p1 [hbm4b:s12+s14], $0x1000, s15, s14, $0x38;
	[tilespmem:$0x4040] =	vst v63  }
0x2a: {  	p1 =	sge.u32 s31, s6  }
.Ltmp2:
0x2b: {  	_ = 	snop;
	(pc) =	sbr.rel @p1 .LBB1_5-.Ltmp2, $1  }
0x2c: {  	_ =	sdelay $0x3  }
0x2d: {  	s12 =	simm.s32 $0x1  }
0x2e: {  	_ =	swait.ge [sflag:s5], $0x1000;
	s12 =	simm.s32 @!p0 $0x0  }
0x2f: {  	[sflag:s5] =	ssyncset.done $0x0;
	s13 =	sshll.u32 s12, $0xC  }
0x30: {  	[sflag:s5] =	ssyncadd.s32 $0xFFFFF000;
	s16 =	sor.u32 $0x10, s13  }
0x31: {  	s12 =	smul.u32 $0x4080, s12;
	v1 =	vld [tilespmem:s16+$0x0]  }
0x32: {  	s30 =	sand.u32 $0x1, s10;
	v0 =	vld [tilespmem:s16+$0xFFFFFFF0]  }
0x33: {  	s13 =	smul.u32 $0x4080, s30;
	s12 =	sshrl.u32 s12, $0x2  }
0x34: {  	s14 =	sor.u32 $0x2000, s12  }
0x35: {  	s31 =	sshrl.u32 s13, $0x2;
	s13 =	sadd.s32 $0x0, s14  }
0x36: {  	s15 =	simm.s32 $0x4;
	s16 =	sadd.s32 $0x20, s16;
	s12 =	sor.u32 $0x2000, s31;
	[tilespmem:s13+$0x810 ss:$0x81] =	vst.msk $0xffff, v1  }
.LBB1_3:
0x37: {  	v1 =	vld [tilespmem:s16+$0x0];
	p1 =	sne.s32 s15, $0x1FC;
	[tilespmem:s13+$0x0 ss:$0x81] =	vst.msk $0xffff, v0;
	s13 =	smov.u32 s15;
	s15 =	sadd.s32 $0x4, s15  }
.Ltmp3:
0x38: {  	v0 =	vld [tilespmem:s16+$0xFFFFFFF0];
	(pc) =	sbr.rel @p1 .LBB1_3-.Ltmp3, $4  }
0x39: {  	_ = 	snop  }
0x3a: {  	s13 =	sshra.s32 s13, $0x2  }
0x3b: {  	s13 =	sadd.s32 s13, s14  }
0x3c: {  	s16 =	sadd.s32 $0x20, s16;
	[tilespmem:s13+$0x810 ss:$0x81] =	vst.msk $0xffff, v1  }
.Ltmp4:
0x3d: {  	_ = 	snop;
	(pc) =	sbr.rel .LBB1_4-.Ltmp4, $1  }
0x3e: {  	_ =	sdelay $0x3  }
.LBB1_6:
0x3f: {  	_ =	sfence.sel $0x180000  }
0x40: {  	s2 =	simm.s32 $0x1;
	[bflag:$0x0] =	sbarrier.arrive $0xFFFF  }
0x41: {  	s31 =	simm.s32 $0x2;
	[sflag:s2] =	ssyncpa.u1 $0x1  }
0x42: {  	[sflag:s31] =	ssyncpa.u1 $0x1  }
0x43: {  	p0 =	sne.s32 s0, $0x0;
	_ =	strace $0x9000004A  }
0x44: {  	s0 =	sadd.s32 @!p0 $0x100000, s1;
	[bflag:$0x2] =	sbarrier.arrive $0xFFFF  }
0x45: {  	[sflag:s0] =	ssyncadd.tile.s32 @!p0 $0x1;
	_ =	shalt  }
.Lfunc_end1:
_tile_overlayer_lowered:
.L_overlay_start_2:
0x46: {  	(tag) =	ssettag $0x2  }
0x47: {  	s0 =	rddreg [dreg:$0x0];
	s2 =	stileid.u32  }
0x48: {  	s1 =	rddreg [dreg:$0x1];
	p0 =	sne.s32 s2, $0x0  }
0x49: {  	s3 =	rddreg [dreg:$0x2];
	[bflag:$0x3] =	sbarrier.arrive $0xFFFF;
	s2 =	simm.s32 @!p0 $0x1C01  }
0x4a: {  	[timem:s3], [sflag:s2] =	dma.local @!p0 [hbm:s0], s1  }
0x4b: {  	s0 =	simm.s32 @!p0 $0x1  }
0x4c: {  	_ =	swait.ge @!p0 [sflag:s0], s1  }
0x4d: {  	s1 =	ssub.s32 @!p0 $0x0, s1;
	[sflag:s0] =	ssyncset.done @!p0 $0x0  }
0x4e: {  	[sflag:s0] =	ssyncadd.s32 @!p0 s1  }
0x4f: {  	[bflag:$0x3] =	sbarrier.arrive $0xFFFF  }
0x50: {  	_ =	shalt  }

</sc_bundles>
